<compile_context>
chip_gen: v7x
topology: tpu7x:2x2x1
jax: 0.10.2.dev20260603
libtpu: 0.0.44.dev20260713+nightly
codegen_flags: <defaults>
</compile_context>

<pallas_src>
import jax
import jax.numpy as jnp
from jax import lax
from jax.experimental import pallas as pl
from jax.experimental.pallas import tpu as pltpu
from jax.experimental.pallas import tpu_sc as plsc

N = 10000
E = 160000
D = 256
DH = 128
NPAD = 10240
NC = 2
NS = 16
SEG = NPAD // NS

K1K = 40
K1CH = (E // (NC * NS)) // K1K

K3K = 80
K3CH = (E // NS) // K3K

BN_EPS_ = 1e-5
RBLK = 400
NBLK = N // RBLK


def _sc_mesh():
    return plsc.VectorSubcoreMesh(
        core_axis_name="c", subcore_axis_name="s", num_cores=NC, num_subcores=NS
    )


def _k1_body(dst_hbm, out_hbm, ones_v, zb_v, dstc_v,
             sm0, sm1, sm2, sm3, deg_sh):
    c = lax.axis_index("c")
    s = lax.axis_index("s")
    w = c * NS + s
    epp = E // (NC * NS)
    sems = (sm0, sm1, sm2, sm3)

    def fill(i, carry):
        zb_v[i] = jnp.zeros((16,), jnp.float32)
        ones_v[i] = jnp.ones((16,), jnp.float32)
        return carry

    lax.fori_loop(0, K1K, fill, 0)

    for r in range(SEG // K1K):
        pltpu.sync_copy(zb_v, deg_sh.at[pl.ds(s * SEG + r * K1K, K1K)])

    pltpu.sync_copy(dst_hbm.at[pl.ds(w * epp, epp)], dstc_v)
    plsc.subcore_barrier()

    def start_s(j, b):
        pltpu.async_copy(
            ones_v, deg_sh.at[dstc_v.at[pl.ds(j * K1K, K1K)]], sems[b],
            add=True,
        )

    def wait_s(j, b):
        pltpu.make_async_copy(
            ones_v, deg_sh.at[dstc_v.at[pl.ds(j * K1K, K1K)]], sems[b]
        ).wait()

    def body(g, carry):
        for b in range(4):
            j = g * 4 + b

            @pl.when(j >= 4)
            def _():
                wait_s(j - 4, b)

            start_s(j, b)
        return carry

    lax.fori_loop(0, K1CH // 4, body, 0)
    jl = K1CH - 1
    wait_s(jl - 4, 0)
    start_s(jl, 0)
    for j in range(K1CH - 4, K1CH):
        wait_s(j, j % 4)
    plsc.subcore_barrier()
    pltpu.sync_copy(
        deg_sh.at[pl.ds(s * SEG, SEG)], out_hbm.at[c, pl.ds(s * SEG, SEG)]
    )


def _k1_call(dst):
    kfn = pl.kernel(
        _k1_body,
        out_type=jax.ShapeDtypeStruct((NC, NPAD, 16), jnp.float32),
        mesh=_sc_mesh(),
        compiler_params=pltpu.CompilerParams(use_tc_tiling_on_sc=False),
        scratch_types=[
            pltpu.VMEM((K1K, 16), jnp.float32),
            pltpu.VMEM((K1K, 16), jnp.float32),
            pltpu.VMEM((E // (NC * NS),), jnp.int32),
            pltpu.SemaphoreType.DMA,
            pltpu.SemaphoreType.DMA,
            pltpu.SemaphoreType.DMA,
            pltpu.SemaphoreType.DMA,
            pltpu.VMEM_SHARED((NPAD, 16), jnp.float32),
        ],
    )
    return kfn(dst)


def _k2_body(x_ref, w_ref, p_ref, hp_ref):
    h = jnp.dot(x_ref[...], w_ref[...], preferred_element_type=jnp.float32)
    p = p_ref[...]
    deg = p[0] + p[1] + 1.0
    dinv = lax.rsqrt(deg[:, 0:1])
    hp_ref[0] = (h[:, :DH] * dinv).astype(jnp.bfloat16)
    hp_ref[1] = (h[:, DH:] * dinv).astype(jnp.bfloat16)


def _k2_call(x, W, partials):
    return pl.pallas_call(
        _k2_body,
        grid=(NBLK,),
        in_specs=[
            pl.BlockSpec((RBLK, D), lambda i: (i, 0)),
            pl.BlockSpec((D, D), lambda i: (0, 0)),
            pl.BlockSpec((NC, RBLK, 16), lambda i: (0, i, 0)),
        ],
        out_specs=pl.BlockSpec((NC, RBLK, DH), lambda i: (0, i, 0)),
        out_shape=jax.ShapeDtypeStruct((NC, N, DH), jnp.bfloat16),
    )(x, W, partials)


def _k3_body(hp_hbm, src_hbm, dst_hbm, out_hbm,
             srcl_v, dstl_v, rows0, rows1, rows2, rows3, rows4,
             gsem0, gsem1, gsem2, gsem3, gsem4,
             ssem0, ssem1, ssem2, ssem3, ssem4,
             acc_sh):
    c = lax.axis_index("c")
    s = lax.axis_index("s")
    epp = E // NS

    rows = (rows0, rows1, rows2, rows3, rows4)
    gsems = (gsem0, gsem1, gsem2, gsem3, gsem4)
    ssems = (ssem0, ssem1, ssem2, ssem3, ssem4)

    def zf(i, carry):
        for q in range(DH // 32):
            rows0[i, pl.ds(q * 32, 32)] = jnp.zeros((32,), jnp.bfloat16)
        return carry

    lax.fori_loop(0, K3K, zf, 0)
    for r in range(SEG // K3K):
        pltpu.sync_copy(rows0, acc_sh.at[pl.ds(s * SEG + r * K3K, K3K)])

    pltpu.sync_copy(src_hbm.at[pl.ds(s * epp, epp)], srcl_v)
    pltpu.sync_copy(dst_hbm.at[pl.ds(s * epp, epp)], dstl_v)
    off = c * N

    def adj(j, carry):
        srcl_v[pl.ds(j * 16, 16)] = srcl_v[pl.ds(j * 16, 16)] + off
        return carry

    lax.fori_loop(0, epp // 16, adj, 0)
    plsc.subcore_barrier()

    def start_g(j, b):
        pltpu.async_copy(
            hp_hbm.at[srcl_v.at[pl.ds(j * K3K, K3K)]], rows[b], gsems[b]
        )

    def wait_g(j, b):
        pltpu.make_async_copy(
            hp_hbm.at[srcl_v.at[pl.ds(j * K3K, K3K)]], rows[b], gsems[b]
        ).wait()

    def start_s(j, b):
        pltpu.async_copy(
            rows[b], acc_sh.at[dstl_v.at[pl.ds(j * K3K, K3K)]], ssems[b],
            add=True,
        )

    def wait_s(j, b):
        pltpu.make_async_copy(
            rows[b], acc_sh.at[dstl_v.at[pl.ds(j * K3K, K3K)]], ssems[b]
        ).wait()

    start_g(0, 0)
    start_g(1, 1)
    start_g(2, 2)

    def gbody(g, carry):
        for b in range(5):
            j = g * 5 + b
            wait_g(j, b)
            start_s(j, b)
            bn = (b + 3) % 5

            @pl.when(j >= 2)
            def _():
                wait_s(j - 2, bn)

            @pl.when(j + 3 < K3CH)
            def _():
                start_g(j + 3, bn)
        return carry

    lax.fori_loop(0, K3CH // 5, gbody, 0)
    wait_s(K3CH - 2, (K3CH - 2) % 5)
    wait_s(K3CH - 1, (K3CH - 1) % 5)

    plsc.subcore_barrier()
    pltpu.sync_copy(
        acc_sh.at[pl.ds(s * SEG, SEG)], out_hbm.at[c, pl.ds(s * SEG, SEG)]
    )


def _k3_call(hp2, src, dst3):
    kfn = pl.kernel(
        _k3_body,
        out_type=jax.ShapeDtypeStruct((NC, NPAD, DH), jnp.bfloat16),
        mesh=_sc_mesh(),
        compiler_params=pltpu.CompilerParams(use_tc_tiling_on_sc=False),
        scratch_types=[
            pltpu.VMEM((E // NS,), jnp.int32),
            pltpu.VMEM((E // NS,), jnp.int32),
            pltpu.VMEM((K3K, DH), jnp.bfloat16),
            pltpu.VMEM((K3K, DH), jnp.bfloat16),
            pltpu.VMEM((K3K, DH), jnp.bfloat16),
            pltpu.VMEM((K3K, DH), jnp.bfloat16),
            pltpu.VMEM((K3K, DH), jnp.bfloat16),
            pltpu.SemaphoreType.DMA,
            pltpu.SemaphoreType.DMA,
            pltpu.SemaphoreType.DMA,
            pltpu.SemaphoreType.DMA,
            pltpu.SemaphoreType.DMA,
            pltpu.SemaphoreType.DMA,
            pltpu.SemaphoreType.DMA,
            pltpu.SemaphoreType.DMA,
            pltpu.SemaphoreType.DMA,
            pltpu.SemaphoreType.DMA,
            pltpu.VMEM_SHARED((NPAD, DH), jnp.bfloat16),
        ],
    )
    return kfn(hp2, src, dst3)


def _dinv_of(p):
    deg = p[0] + p[1] + 1.0
    return lax.rsqrt(deg[:, 0:1])


def _t_block(acc_ref, hp_ref, p_ref):
    dinv = _dinv_of(p_ref[...])
    a = acc_ref[...].astype(jnp.float32)
    hp = hp_ref[...].astype(jnp.float32)
    return jnp.concatenate([a[0] + hp[0], a[1] + hp[1]], axis=1) * dinv


def _d1_body(acc_ref, hp_ref, p_ref, t_ref, stats_ref):
    i = pl.program_id(0)
    tb = _t_block(acc_ref, hp_ref, p_ref)
    t_ref[...] = tb.astype(jnp.bfloat16)

    @pl.when(i == 0)
    def _():
        stats_ref[...] = jnp.zeros_like(stats_ref)

    stats_ref[...] += jnp.stack([jnp.sum(tb, 0), jnp.sum(tb * tb, 0)], 0)


def _d1_call(acc, hp, partials):
    return pl.pallas_call(
        _d1_body,
        grid=(NBLK,),
        in_specs=[
            pl.BlockSpec((NC, RBLK, DH), lambda i: (0, i, 0)),
            pl.BlockSpec((NC, RBLK, DH), lambda i: (0, i, 0)),
            pl.BlockSpec((NC, RBLK, 16), lambda i: (0, i, 0)),
        ],
        out_specs=[
            pl.BlockSpec((RBLK, D), lambda i: (i, 0)),
            pl.BlockSpec((2, D), lambda i: (0, 0)),
        ],
        out_shape=[
            jax.ShapeDtypeStruct((N, D), jnp.bfloat16),
            jax.ShapeDtypeStruct((2, D), jnp.float32),
        ],
    )(acc, hp, partials)


def _d2_body(t_ref, stats_ref, g_ref, b_ref, y_ref):
    tb = t_ref[...].astype(jnp.float32)
    st = stats_ref[...]
    mean = st[0:1] * (1.0 / N)
    ex2 = st[1:2] * (1.0 / N)
    var = ex2 - mean * mean
    scale = lax.rsqrt(var + BN_EPS_) * g_ref[...]
    y = (tb - mean) * scale + b_ref[...]
    y_ref[...] = jnp.maximum(y, 0.0)


def _d2_call(t, stats, gamma, beta):
    return pl.pallas_call(
        _d2_body,
        grid=(NBLK,),
        in_specs=[
            pl.BlockSpec((RBLK, D), lambda i: (i, 0)),
            pl.BlockSpec((2, D), lambda i: (0, 0)),
            pl.BlockSpec((1, D), lambda i: (0, 0)),
            pl.BlockSpec((1, D), lambda i: (0, 0)),
        ],
        out_specs=pl.BlockSpec((RBLK, D), lambda i: (i, 0)),
        out_shape=jax.ShapeDtypeStruct((N, D), jnp.float32),
    )(t, stats, gamma, beta)


def kernel(x, edge_index, W, bn_gamma, bn_beta):
    ei = edge_index.astype(jnp.int32)
    src = ei[0]
    dst = ei[1]

    partials = _k1_call(dst)
    hp = _k2_call(x, W, partials)
    acc = _k3_call(hp.reshape(NC * N, DH), src, dst)
    t, stats = _d1_call(acc, hp, partials)
    return _d2_call(t, stats, bn_gamma.reshape(1, D), bn_beta.reshape(1, D))

# --- scband reference (transcript-rebuilt; emitter-appended) ---
"""Pipeline reference for scband-general-layer-16604343566544 (READ-ONLY COPY).

The authoritative reference and input builder live on the scoring server;
editing this copy changes nothing except your own understanding.
"""

import jax, jax.numpy as jnp
import numpy as np

N_NODES = 10000
N_EDGES = 160000
DIM_IN = 256
DIM_OUT = 256
BN_EPS = 1e-5


def setup_inputs(seed: int = 0) -> dict:
    key = jax.random.key(seed)
    k1, k2, k3 = jax.random.split(key, 3)
    x = jax.random.normal(k1, (N_NODES, DIM_IN), dtype=jnp.float32)
    edge_index = jax.random.randint(k2, (2, N_EDGES), 0, N_NODES, dtype=jnp.int64)
    # GCNConv linear weight (glorot), no bias (bias = not has_bn = False)
    limit = float(np.sqrt(6.0 / (DIM_IN + DIM_OUT)))
    W = jax.random.uniform(k3, (DIM_IN, DIM_OUT), dtype=jnp.float32, minval=-limit, maxval=limit)
    # BatchNorm1d affine params
    bn_gamma = jnp.ones((DIM_OUT,), dtype=jnp.float32)
    bn_beta = jnp.zeros((DIM_OUT,), dtype=jnp.float32)
    return {"x": x, "edge_index": edge_index, "W": W, "bn_gamma": bn_gamma, "bn_beta": bn_beta}


def _gcn_layer(x, edge_index, W):
    N = x.shape[0]
    self_loops = jnp.arange(N, dtype=edge_index.dtype)
    src = jnp.concatenate([edge_index[0], self_loops])
    dst = jnp.concatenate([edge_index[1], self_loops])
    # symmetric normalization with self-loops (PyG GCNConv default)
    deg = jnp.zeros((N,), dtype=x.dtype).at[dst].add(1.0)
    deg_inv_sqrt = jnp.where(deg > 0, jax.lax.rsqrt(deg), 0.0)
    norm = deg_inv_sqrt[src] * deg_inv_sqrt[dst]
    h = x @ W
    msg = h[src] * norm[:, None]
    out = jax.ops.segment_sum(msg, dst, num_segments=N)
    return out


def reference(x, edge_index, W, bn_gamma, bn_beta):
    # GeneralLayer: gcnconv -> BatchNorm1d (training-mode batch stats) -> ReLU
    out = _gcn_layer(x, edge_index, W)
    mean = jnp.mean(out, axis=0)
    var = jnp.var(out, axis=0)
    out = (out - mean) * jax.lax.rsqrt(var + BN_EPS) * bn_gamma + bn_beta
    out = jax.nn.relu(out)
    return out

if __name__ == "__main__":
    import jax
    _d = setup_inputs()
    print(jax.jit(kernel)(*tuple(_d.values())))

</pallas_src>

<mosaic_0001>
#map = affine_map<(d0, d1) -> (0)>
#map1 = affine_map<(d0, d1) -> (0, 0, 0)>
module attributes {stable_mosaic.version = 14 : i64} {
  func.func @_k1_body(%arg0: i32, %arg1: i32, %arg2: memref<160000xi32, #tpu.memory_space<hbm>>, %arg3: memref<2x10240x16xf32, #tpu.memory_space<hbm>>, %arg4: memref<40x16xf32, #tpu.memory_space<vmem>>, %arg5: memref<40x16xf32, #tpu.memory_space<vmem>>, %arg6: memref<5000xi32, #tpu.memory_space<vmem>>, %arg7: memref<!tpu.dma_semaphore, #tpu.memory_space<semaphore_mem>>, %arg8: memref<!tpu.dma_semaphore, #tpu.memory_space<semaphore_mem>>, %arg9: memref<!tpu.dma_semaphore, #tpu.memory_space<semaphore_mem>>, %arg10: memref<!tpu.dma_semaphore, #tpu.memory_space<semaphore_mem>>, %arg11: memref<10240x16xf32, #tpu.memory_space<vmem_shared>>) attributes {dimension_semantics = [#tpu.dimension_semantics<core_parallel>, #tpu.dimension_semantics<subcore_parallel>], iteration_bounds = array<i64: 2, 16>, scalar_prefetch = 0 : i64, scratch_operands = 8 : i64, tpu.core_type = #tpu.core_type<sc_vector_subcore>, window_params = [{transform_indices = #map}, {transform_indices = #map1}]} {
    %mul3A = arith.constant 16 : i32
    %mul3A_0 = arith.muli %arg0, %mul3A : i32
    %add3A = arith.addi %mul3A_0, %arg1 : i32
    %scan3A = arith.constant 0 : i32
    %scan3A_1 = arith.constant 0 : i32
    %scan3A_2 = arith.constant 40 : i32
    %scan3A_3 = arith.addi %scan3A_1, %scan3A_2 : i32
    %scan3A_4 = arith.constant 1 : i32
    scf.for %scan3A_111 = %scan3A_1 to %scan3A_3 step %scan3A_4  : i32 {
      %broadcast_in_dim3A = arith.constant 0.000000e+00 : f32
      %broadcast_in_dim3A_112 = vector.broadcast %broadcast_in_dim3A : f32 to vector<16xf32>
      %swap3A = arith.index_cast %scan3A_111 : i32 to index
      %swap3A_113 = arith.constant 0 : index
      %swap3A_114 = tpu.vector_load %arg5[%swap3A, %swap3A_113] {strides = array<i32>} : memref<40x16xf32, #tpu.memory_space<vmem>>, vector<1x16xf32>,
      %swap3A_115 = vector.shape_cast %swap3A_114 : vector<1x16xf32> to vector<16xf32>
      %swap3A_116 = vector.shape_cast %broadcast_in_dim3A_112 : vector<16xf32> to vector<1x16xf32>
      tpu.vector_store %arg5[%swap3A, %swap3A_113], %swap3A_116 {strides = array<i32>} : memref<40x16xf32, #tpu.memory_space<vmem>>, vector<1x16xf32>,
      %broadcast_in_dim3A_117 = arith.constant 1.000000e+00 : f32
      %broadcast_in_dim3A_118 = vector.broadcast %broadcast_in_dim3A_117 : f32 to vector<16xf32>
      %swap3A_119 = arith.index_cast %scan3A_111 : i32 to index
      %swap3A_120 = arith.constant 0 : index
      %swap3A_121 = tpu.vector_load %arg4[%swap3A_119, %swap3A_120] {strides = array<i32>} : memref<40x16xf32, #tpu.memory_space<vmem>>, vector<1x16xf32>,
      %swap3A_122 = vector.shape_cast %swap3A_121 : vector<1x16xf32> to vector<16xf32>
      %swap3A_123 = vector.shape_cast %broadcast_in_dim3A_118 : vector<16xf32> to vector<1x16xf32>
      tpu.vector_store %arg4[%swap3A_119, %swap3A_120], %swap3A_123 {strides = array<i32>} : memref<40x16xf32, #tpu.memory_space<vmem>>, vector<1x16xf32>,
    }
    %scan3A_5 = arith.constant 40 : i32
    %mul3A_6 = arith.constant 640 : i32
    %mul3A_7 = arith.muli %arg1, %mul3A_6 : i32
    %add3A_8 = arith.constant 0 : i32
    %add3A_9 = arith.addi %mul3A_7, %add3A_8 : i32
    "tpu.region"() ({
      %run_scoped3A = tpu.sem_alloc : memref<!tpu.dma_semaphore, #tpu.memory_space<semaphore_mem>>
      %dma_start3A_111 = arith.constant 0 : i32
      %dma_start3A_112 = tpu.memref_slice %arg11[%add3A_9, %dma_start3A_111] : memref<10240x16xf32, #tpu.memory_space<vmem_shared>> -> memref<40x16xf32, #tpu.memory_space<vmem_shared>>
      %dma_start3A_113 = arith.constant 0 : i32
      %dma_start3A_114 = tpu.memref_slice %arg11[%add3A_9, %dma_start3A_113] : memref<10240x16xf32, #tpu.memory_space<vmem_shared>> -> memref<40x16xf32, #tpu.memory_space<vmem_shared>>
      tpu.enqueue_dma source(%arg5 : memref<40x16xf32, #tpu.memory_space<vmem>>) target(%dma_start3A_114 : memref<40x16xf32, #tpu.memory_space<vmem_shared>>) target_semaphore(%run_scoped3A : memref<!tpu.dma_semaphore, #tpu.memory_space<semaphore_mem>>)
      %dma_wait3A_115 = arith.constant 0 : i32
      %dma_wait3A_116 = tpu.memref_slice %arg11[%add3A_9, %dma_wait3A_115] : memref<10240x16xf32, #tpu.memory_space<vmem_shared>> -> memref<40x16xf32, #tpu.memory_space<vmem_shared>>
      %dma_wait3A_117 = arith.constant 0 : i32
      %dma_wait3A_118 = tpu.memref_slice %arg11[%add3A_9, %dma_wait3A_117] : memref<10240x16xf32, #tpu.memory_space<vmem_shared>> -> memref<40x16xf32, #tpu.memory_space<vmem_shared>>
      tpu.wait_dma2 semaphore(%run_scoped3A : memref<!tpu.dma_semaphore, #tpu.memory_space<semaphore_mem>>) src(%arg5 : memref<40x16xf32, #tpu.memory_space<vmem>>) dst(%dma_wait3A_118 : memref<40x16xf32, #tpu.memory_space<vmem_shared>>)
      tpu.yield
    }) : () -> ()
    %mul3A_10 = arith.constant 640 : i32
    %mul3A_11 = arith.muli %arg1, %mul3A_10 : i32
    %add3A_12 = arith.constant 40 : i32
    %add3A_13 = arith.addi %mul3A_11, %add3A_12 : i32
    "tpu.region"() ({
      %run_scoped3A = tpu.sem_alloc : memref<!tpu.dma_semaphore, #tpu.memory_space<semaphore_mem>>
      %dma_start3A_111 = arith.constant 0 : i32
      %dma_start3A_112 = tpu.memref_slice %arg11[%add3A_13, %dma_start3A_111] : memref<10240x16xf32, #tpu.memory_space<vmem_shared>> -> memref<40x16xf32, #tpu.memory_space<vmem_shared>>
      %dma_start3A_113 = arith.constant 0 : i32
      %dma_start3A_114 = tpu.memref_slice %arg11[%add3A_13, %dma_start3A_113] : memref<10240x16xf32, #tpu.memory_space<vmem_shared>> -> memref<40x16xf32, #tpu.memory_space<vmem_shared>>
      tpu.enqueue_dma source(%arg5 : memref<40x16xf32, #tpu.memory_space<vmem>>) target(%dma_start3A_114 : memref<40x16xf32, #tpu.memory_space<vmem_shared>>) target_semaphore(%run_scoped3A : memref<!tpu.dma_semaphore, #tpu.memory_space<semaphore_mem>>)
      %dma_wait3A_115 = arith.constant 0 : i32
      %dma_wait3A_116 = tpu.memref_slice %arg11[%add3A_13, %dma_wait3A_115] : memref<10240x16xf32, #tpu.memory_space<vmem_shared>> -> memref<40x16xf32, #tpu.memory_space<vmem_shared>>
      %dma_wait3A_117 = arith.constant 0 : i32
      %dma_wait3A_118 = tpu.memref_slice %arg11[%add3A_13, %dma_wait3A_117] : memref<10240x16xf32, #tpu.memory_space<vmem_shared>> -> memref<40x16xf32, #tpu.memory_space<vmem_shared>>
      tpu.wait_dma2 semaphore(%run_scoped3A : memref<!tpu.dma_semaphore, #tpu.memory_space<semaphore_mem>>) src(%arg5 : memref<40x16xf32, #tpu.memory_space<vmem>>) dst(%dma_wait3A_118 : memref<40x16xf32, #tpu.memory_space<vmem_shared>>)
      tpu.yield
    }) : () -> ()
    %mul3A_14 = arith.constant 640 : i32
    %mul3A_15 = arith.muli %arg1, %mul3A_14 : i32
    %add3A_16 = arith.constant 80 : i32
    %add3A_17 = arith.addi %mul3A_15, %add3A_16 : i32
    "tpu.region"() ({
      %run_scoped3A = tpu.sem_alloc : memref<!tpu.dma_semaphore, #tpu.memory_space<semaphore_mem>>
      %dma_start3A_111 = arith.constant 0 : i32
      %dma_start3A_112 = tpu.memref_slice %arg11[%add3A_17, %dma_start3A_111] : memref<10240x16xf32, #tpu.memory_space<vmem_shared>> -> memref<40x16xf32, #tpu.memory_space<vmem_shared>>
      %dma_start3A_113 = arith.constant 0 : i32
      %dma_start3A_114 = tpu.memref_slice %arg11[%add3A_17, %dma_start3A_113] : memref<10240x16xf32, #tpu.memory_space<vmem_shared>> -> memref<40x16xf32, #tpu.memory_space<vmem_shared>>
      tpu.enqueue_dma source(%arg5 : memref<40x16xf32, #tpu.memory_space<vmem>>) target(%dma_start3A_114 : memref<40x16xf32, #tpu.memory_space<vmem_shared>>) target_semaphore(%run_scoped3A : memref<!tpu.dma_semaphore, #tpu.memory_space<semaphore_mem>>)
      %dma_wait3A_115 = arith.constant 0 : i32
      %dma_wait3A_116 = tpu.memref_slice %arg11[%add3A_17, %dma_wait3A_115] : memref<10240x16xf32, #tpu.memory_space<vmem_shared>> -> memref<40x16xf32, #tpu.memory_space<vmem_shared>>
      %dma_wait3A_117 = arith.constant 0 : i32
      %dma_wait3A_118 = tpu.memref_slice %arg11[%add3A_17, %dma_wait3A_117] : memref<10240x16xf32, #tpu.memory_space<vmem_shared>> -> memref<40x16xf32, #tpu.memory_space<vmem_shared>>
      tpu.wait_dma2 semaphore(%run_scoped3A : memref<!tpu.dma_semaphore, #tpu.memory_space<semaphore_mem>>) src(%arg5 : memref<40x16xf32, #tpu.memory_space<vmem>>) dst(%dma_wait3A_118 : memref<40x16xf32, #tpu.memory_space<vmem_shared>>)
      tpu.yield
    }) : () -> ()
    %mul3A_18 = arith.constant 640 : i32
    %mul3A_19 = arith.muli %arg1, %mul3A_18 : i32
    %add3A_20 = arith.constant 120 : i32
    %add3A_21 = arith.addi %mul3A_19, %add3A_20 : i32
    "tpu.region"() ({
      %run_scoped3A = tpu.sem_alloc : memref<!tpu.dma_semaphore, #tpu.memory_space<semaphore_mem>>
      %dma_start3A_111 = arith.constant 0 : i32
      %dma_start3A_112 = tpu.memref_slice %arg11[%add3A_21, %dma_start3A_111] : memref<10240x16xf32, #tpu.memory_space<vmem_shared>> -> memref<40x16xf32, #tpu.memory_space<vmem_shared>>
      %dma_start3A_113 = arith.constant 0 : i32
      %dma_start3A_114 = tpu.memref_slice %arg11[%add3A_21, %dma_start3A_113] : memref<10240x16xf32, #tpu.memory_space<vmem_shared>> -> memref<40x16xf32, #tpu.memory_space<vmem_shared>>
      tpu.enqueue_dma source(%arg5 : memref<40x16xf32, #tpu.memory_space<vmem>>) target(%dma_start3A_114 : memref<40x16xf32, #tpu.memory_space<vmem_shared>>) target_semaphore(%run_scoped3A : memref<!tpu.dma_semaphore, #tpu.memory_space<semaphore_mem>>)
      %dma_wait3A_115 = arith.constant 0 : i32
      %dma_wait3A_116 = tpu.memref_slice %arg11[%add3A_21, %dma_wait3A_115] : memref<10240x16xf32, #tpu.memory_space<vmem_shared>> -> memref<40x16xf32, #tpu.memory_space<vmem_shared>>
      %dma_wait3A_117 = arith.constant 0 : i32
      %dma_wait3A_118 = tpu.memref_slice %arg11[%add3A_21, %dma_wait3A_117] : memref<10240x16xf32, #tpu.memory_space<vmem_shared>> -> memref<40x16xf32, #tpu.memory_space<vmem_shared>>
      tpu.wait_dma2 semaphore(%run_scoped3A : memref<!tpu.dma_semaphore, #tpu.memory_space<semaphore_mem>>) src(%arg5 : memref<40x16xf32, #tpu.memory_space<vmem>>) dst(%dma_wait3A_118 : memref<40x16xf32, #tpu.memory_space<vmem_shared>>)
      tpu.yield
    }) : () -> ()
    %mul3A_22 = arith.constant 640 : i32
    %mul3A_23 = arith.muli %arg1, %mul3A_22 : i32
    %add3A_24 = arith.constant 160 : i32
    %add3A_25 = arith.addi %mul3A_23, %add3A_24 : i32
    "tpu.region"() ({
      %run_scoped3A = tpu.sem_alloc : memref<!tpu.dma_semaphore, #tpu.memory_space<semaphore_mem>>
      %dma_start3A_111 = arith.constant 0 : i32
      %dma_start3A_112 = tpu.memref_slice %arg11[%add3A_25, %dma_start3A_111] : memref<10240x16xf32, #tpu.memory_space<vmem_shared>> -> memref<40x16xf32, #tpu.memory_space<vmem_shared>>
      %dma_start3A_113 = arith.constant 0 : i32
      %dma_start3A_114 = tpu.memref_slice %arg11[%add3A_25, %dma_start3A_113] : memref<10240x16xf32, #tpu.memory_space<vmem_shared>> -> memref<40x16xf32, #tpu.memory_space<vmem_shared>>
      tpu.enqueue_dma source(%arg5 : memref<40x16xf32, #tpu.memory_space<vmem>>) target(%dma_start3A_114 : memref<40x16xf32, #tpu.memory_space<vmem_shared>>) target_semaphore(%run_scoped3A : memref<!tpu.dma_semaphore, #tpu.memory_space<semaphore_mem>>)
      %dma_wait3A_115 = arith.constant 0 : i32
      %dma_wait3A_116 = tpu.memref_slice %arg11[%add3A_25, %dma_wait3A_115] : memref<10240x16xf32, #tpu.memory_space<vmem_shared>> -> memref<40x16xf32, #tpu.memory_space<vmem_shared>>
      %dma_wait3A_117 = arith.constant 0 : i32
      %dma_wait3A_118 = tpu.memref_slice %arg11[%add3A_25, %dma_wait3A_117] : memref<10240x16xf32, #tpu.memory_space<vmem_shared>> -> memref<40x16xf32, #tpu.memory_space<vmem_shared>>
      tpu.wait_dma2 semaphore(%run_scoped3A : memref<!tpu.dma_semaphore, #tpu.memory_space<semaphore_mem>>) src(%arg5 : memref<40x16xf32, #tpu.memory_space<vmem>>) dst(%dma_wait3A_118 : memref<40x16xf32, #tpu.memory_space<vmem_shared>>)
      tpu.yield
    }) : () -> ()
    %mul3A_26 = arith.constant 640 : i32
    %mul3A_27 = arith.muli %arg1, %mul3A_26 : i32
    %add3A_28 = arith.constant 200 : i32
    %add3A_29 = arith.addi %mul3A_27, %add3A_28 : i32
    "tpu.region"() ({
      %run_scoped3A = tpu.sem_alloc : memref<!tpu.dma_semaphore, #tpu.memory_space<semaphore_mem>>
      %dma_start3A_111 = arith.constant 0 : i32
      %dma_start3A_112 = tpu.memref_slice %arg11[%add3A_29, %dma_start3A_111] : memref<10240x16xf32, #tpu.memory_space<vmem_shared>> -> memref<40x16xf32, #tpu.memory_space<vmem_shared>>
      %dma_start3A_113 = arith.constant 0 : i32
      %dma_start3A_114 = tpu.memref_slice %arg11[%add3A_29, %dma_start3A_113] : memref<10240x16xf32, #tpu.memory_space<vmem_shared>> -> memref<40x16xf32, #tpu.memory_space<vmem_shared>>
      tpu.enqueue_dma source(%arg5 : memref<40x16xf32, #tpu.memory_space<vmem>>) target(%dma_start3A_114 : memref<40x16xf32, #tpu.memory_space<vmem_shared>>) target_semaphore(%run_scoped3A : memref<!tpu.dma_semaphore, #tpu.memory_space<semaphore_mem>>)
      %dma_wait3A_115 = arith.constant 0 : i32
      %dma_wait3A_116 = tpu.memref_slice %arg11[%add3A_29, %dma_wait3A_115] : memref<10240x16xf32, #tpu.memory_space<vmem_shared>> -> memref<40x16xf32, #tpu.memory_space<vmem_shared>>
      %dma_wait3A_117 = arith.constant 0 : i32
      %dma_wait3A_118 = tpu.memref_slice %arg11[%add3A_29, %dma_wait3A_117] : memref<10240x16xf32, #tpu.memory_space<vmem_shared>> -> memref<40x16xf32, #tpu.memory_space<vmem_shared>>
      tpu.wait_dma2 semaphore(%run_scoped3A : memref<!tpu.dma_semaphore, #tpu.memory_space<semaphore_mem>>) src(%arg5 : memref<40x16xf32, #tpu.memory_space<vmem>>) dst(%dma_wait3A_118 : memref<40x16xf32, #tpu.memory_space<vmem_shared>>)
      tpu.yield
    }) : () -> ()
    %mul3A_30 = arith.constant 640 : i32
    %mul3A_31 = arith.muli %arg1, %mul3A_30 : i32
    %add3A_32 = arith.constant 240 : i32
    %add3A_33 = arith.addi %mul3A_31, %add3A_32 : i32
    "tpu.region"() ({
      %run_scoped3A = tpu.sem_alloc : memref<!tpu.dma_semaphore, #tpu.memory_space<semaphore_mem>>
      %dma_start3A_111 = arith.constant 0 : i32
      %dma_start3A_112 = tpu.memref_slice %arg11[%add3A_33, %dma_start3A_111] : memref<10240x16xf32, #tpu.memory_space<vmem_shared>> -> memref<40x16xf32, #tpu.memory_space<vmem_shared>>
      %dma_start3A_113 = arith.constant 0 : i32
      %dma_start3A_114 = tpu.memref_slice %arg11[%add3A_33, %dma_start3A_113] : memref<10240x16xf32, #tpu.memory_space<vmem_shared>> -> memref<40x16xf32, #tpu.memory_space<vmem_shared>>
      tpu.enqueue_dma source(%arg5 : memref<40x16xf32, #tpu.memory_space<vmem>>) target(%dma_start3A_114 : memref<40x16xf32, #tpu.memory_space<vmem_shared>>) target_semaphore(%run_scoped3A : memref<!tpu.dma_semaphore, #tpu.memory_space<semaphore_mem>>)
      %dma_wait3A_115 = arith.constant 0 : i32
      %dma_wait3A_116 = tpu.memref_slice %arg11[%add3A_33, %dma_wait3A_115] : memref<10240x16xf32, #tpu.memory_space<vmem_shared>> -> memref<40x16xf32, #tpu.memory_space<vmem_shared>>
      %dma_wait3A_117 = arith.constant 0 : i32
      %dma_wait3A_118 = tpu.memref_slice %arg11[%add3A_33, %dma_wait3A_117] : memref<10240x16xf32, #tpu.memory_space<vmem_shared>> -> memref<40x16xf32, #tpu.memory_space<vmem_shared>>
      tpu.wait_dma2 semaphore(%run_scoped3A : memref<!tpu.dma_semaphore, #tpu.memory_space<semaphore_mem>>) src(%arg5 : memref<40x16xf32, #tpu.memory_space<vmem>>) dst(%dma_wait3A_118 : memref<40x16xf32, #tpu.memory_space<vmem_shared>>)
      tpu.yield
    }) : () -> ()
    %mul3A_34 = arith.constant 640 : i32
    %mul3A_35 = arith.muli %arg1, %mul3A_34 : i32
    %add3A_36 = arith.constant 280 : i32
    %add3A_37 = arith.addi %mul3A_35, %add3A_36 : i32
    "tpu.region"() ({
      %run_scoped3A = tpu.sem_alloc : memref<!tpu.dma_semaphore, #tpu.memory_space<semaphore_mem>>
      %dma_start3A_111 = arith.constant 0 : i32
      %dma_start3A_112 = tpu.memref_slice %arg11[%add3A_37, %dma_start3A_111] : memref<10240x16xf32, #tpu.memory_space<vmem_shared>> -> memref<40x16xf32, #tpu.memory_space<vmem_shared>>
      %dma_start3A_113 = arith.constant 0 : i32
      %dma_start3A_114 = tpu.memref_slice %arg11[%add3A_37, %dma_start3A_113] : memref<10240x16xf32, #tpu.memory_space<vmem_shared>> -> memref<40x16xf32, #tpu.memory_space<vmem_shared>>
      tpu.enqueue_dma source(%arg5 : memref<40x16xf32, #tpu.memory_space<vmem>>) target(%dma_start3A_114 : memref<40x16xf32, #tpu.memory_space<vmem_shared>>) target_semaphore(%run_scoped3A : memref<!tpu.dma_semaphore, #tpu.memory_space<semaphore_mem>>)
      %dma_wait3A_115 = arith.constant 0 : i32
      %dma_wait3A_116 = tpu.memref_slice %arg11[%add3A_37, %dma_wait3A_115] : memref<10240x16xf32, #tpu.memory_space<vmem_shared>> -> memref<40x16xf32, #tpu.memory_space<vmem_shared>>
      %dma_wait3A_117 = arith.constant 0 : i32
      %dma_wait3A_118 = tpu.memref_slice %arg11[%add3A_37, %dma_wait3A_117] : memref<10240x16xf32, #tpu.memory_space<vmem_shared>> -> memref<40x16xf32, #tpu.memory_space<vmem_shared>>
      tpu.wait_dma2 semaphore(%run_scoped3A : memref<!tpu.dma_semaphore, #tpu.memory_space<semaphore_mem>>) src(%arg5 : memref<40x16xf32, #tpu.memory_space<vmem>>) dst(%dma_wait3A_118 : memref<40x16xf32, #tpu.memory_space<vmem_shared>>)
      tpu.yield
    }) : () -> ()
    %mul3A_38 = arith.constant 640 : i32
    %mul3A_39 = arith.muli %arg1, %mul3A_38 : i32
    %add3A_40 = arith.constant 320 : i32
    %add3A_41 = arith.addi %mul3A_39, %add3A_40 : i32
    "tpu.region"() ({
      %run_scoped3A = tpu.sem_alloc : memref<!tpu.dma_semaphore, #tpu.memory_space<semaphore_mem>>
      %dma_start3A_111 = arith.constant 0 : i32
      %dma_start3A_112 = tpu.memref_slice %arg11[%add3A_41, %dma_start3A_111] : memref<10240x16xf32, #tpu.memory_space<vmem_shared>> -> memref<40x16xf32, #tpu.memory_space<vmem_shared>>
      %dma_start3A_113 = arith.constant 0 : i32
      %dma_start3A_114 = tpu.memref_slice %arg11[%add3A_41, %dma_start3A_113] : memref<10240x16xf32, #tpu.memory_space<vmem_shared>> -> memref<40x16xf32, #tpu.memory_space<vmem_shared>>
      tpu.enqueue_dma source(%arg5 : memref<40x16xf32, #tpu.memory_space<vmem>>) target(%dma_start3A_114 : memref<40x16xf32, #tpu.memory_space<vmem_shared>>) target_semaphore(%run_scoped3A : memref<!tpu.dma_semaphore, #tpu.memory_space<semaphore_mem>>)
      %dma_wait3A_115 = arith.constant 0 : i32
      %dma_wait3A_116 = tpu.memref_slice %arg11[%add3A_41, %dma_wait3A_115] : memref<10240x16xf32, #tpu.memory_space<vmem_shared>> -> memref<40x16xf32, #tpu.memory_space<vmem_shared>>
      %dma_wait3A_117 = arith.constant 0 : i32
      %dma_wait3A_118 = tpu.memref_slice %arg11[%add3A_41, %dma_wait3A_117] : memref<10240x16xf32, #tpu.memory_space<vmem_shared>> -> memref<40x16xf32, #tpu.memory_space<vmem_shared>>
      tpu.wait_dma2 semaphore(%run_scoped3A : memref<!tpu.dma_semaphore, #tpu.memory_space<semaphore_mem>>) src(%arg5 : memref<40x16xf32, #tpu.memory_space<vmem>>) dst(%dma_wait3A_118 : memref<40x16xf32, #tpu.memory_space<vmem_shared>>)
      tpu.yield
    }) : () -> ()
    %mul3A_42 = arith.constant 640 : i32
    %mul3A_43 = arith.muli %arg1, %mul3A_42 : i32
    %add3A_44 = arith.constant 360 : i32
    %add3A_45 = arith.addi %mul3A_43, %add3A_44 : i32
    "tpu.region"() ({
      %run_scoped3A = tpu.sem_alloc : memref<!tpu.dma_semaphore, #tpu.memory_space<semaphore_mem>>
      %dma_start3A_111 = arith.constant 0 : i32
      %dma_start3A_112 = tpu.memref_slice %arg11[%add3A_45, %dma_start3A_111] : memref<10240x16xf32, #tpu.memory_space<vmem_shared>> -> memref<40x16xf32, #tpu.memory_space<vmem_shared>>
      %dma_start3A_113 = arith.constant 0 : i32
      %dma_start3A_114 = tpu.memref_slice %arg11[%add3A_45, %dma_start3A_113] : memref<10240x16xf32, #tpu.memory_space<vmem_shared>> -> memref<40x16xf32, #tpu.memory_space<vmem_shared>>
      tpu.enqueue_dma source(%arg5 : memref<40x16xf32, #tpu.memory_space<vmem>>) target(%dma_start3A_114 : memref<40x16xf32, #tpu.memory_space<vmem_shared>>) target_semaphore(%run_scoped3A : memref<!tpu.dma_semaphore, #tpu.memory_space<semaphore_mem>>)
      %dma_wait3A_115 = arith.constant 0 : i32
      %dma_wait3A_116 = tpu.memref_slice %arg11[%add3A_45, %dma_wait3A_115] : memref<10240x16xf32, #tpu.memory_space<vmem_shared>> -> memref<40x16xf32, #tpu.memory_space<vmem_shared>>
      %dma_wait3A_117 = arith.constant 0 : i32
      %dma_wait3A_118 = tpu.memref_slice %arg11[%add3A_45, %dma_wait3A_117] : memref<10240x16xf32, #tpu.memory_space<vmem_shared>> -> memref<40x16xf32, #tpu.memory_space<vmem_shared>>
      tpu.wait_dma2 semaphore(%run_scoped3A : memref<!tpu.dma_semaphore, #tpu.memory_space<semaphore_mem>>) src(%arg5 : memref<40x16xf32, #tpu.memory_space<vmem>>) dst(%dma_wait3A_118 : memref<40x16xf32, #tpu.memory_space<vmem_shared>>)
      tpu.yield
    }) : () -> ()
    %mul3A_46 = arith.constant 640 : i32
    %mul3A_47 = arith.muli %arg1, %mul3A_46 : i32
    %add3A_48 = arith.constant 400 : i32
    %add3A_49 = arith.addi %mul3A_47, %add3A_48 : i32
    "tpu.region"() ({
      %run_scoped3A = tpu.sem_alloc : memref<!tpu.dma_semaphore, #tpu.memory_space<semaphore_mem>>
      %dma_start3A_111 = arith.constant 0 : i32
      %dma_start3A_112 = tpu.memref_slice %arg11[%add3A_49, %dma_start3A_111] : memref<10240x16xf32, #tpu.memory_space<vmem_shared>> -> memref<40x16xf32, #tpu.memory_space<vmem_shared>>
      %dma_start3A_113 = arith.constant 0 : i32
      %dma_start3A_114 = tpu.memref_slice %arg11[%add3A_49, %dma_start3A_113] : memref<10240x16xf32, #tpu.memory_space<vmem_shared>> -> memref<40x16xf32, #tpu.memory_space<vmem_shared>>
      tpu.enqueue_dma source(%arg5 : memref<40x16xf32, #tpu.memory_space<vmem>>) target(%dma_start3A_114 : memref<40x16xf32, #tpu.memory_space<vmem_shared>>) target_semaphore(%run_scoped3A : memref<!tpu.dma_semaphore, #tpu.memory_space<semaphore_mem>>)
      %dma_wait3A_115 = arith.constant 0 : i32
      %dma_wait3A_116 = tpu.memref_slice %arg11[%add3A_49, %dma_wait3A_115] : memref<10240x16xf32, #tpu.memory_space<vmem_shared>> -> memref<40x16xf32, #tpu.memory_space<vmem_shared>>
      %dma_wait3A_117 = arith.constant 0 : i32
      %dma_wait3A_118 = tpu.memref_slice %arg11[%add3A_49, %dma_wait3A_117] : memref<10240x16xf32, #tpu.memory_space<vmem_shared>> -> memref<40x16xf32, #tpu.memory_space<vmem_shared>>
      tpu.wait_dma2 semaphore(%run_scoped3A : memref<!tpu.dma_semaphore, #tpu.memory_space<semaphore_mem>>) src(%arg5 : memref<40x16xf32, #tpu.memory_space<vmem>>) dst(%dma_wait3A_118 : memref<40x16xf32, #tpu.memory_space<vmem_shared>>)
      tpu.yield
    }) : () -> ()
    %mul3A_50 = arith.constant 640 : i32
    %mul3A_51 = arith.muli %arg1, %mul3A_50 : i32
    %add3A_52 = arith.constant 440 : i32
    %add3A_53 = arith.addi %mul3A_51, %add3A_52 : i32
    "tpu.region"() ({
      %run_scoped3A = tpu.sem_alloc : memref<!tpu.dma_semaphore, #tpu.memory_space<semaphore_mem>>
      %dma_start3A_111 = arith.constant 0 : i32
      %dma_start3A_112 = tpu.memref_slice %arg11[%add3A_53, %dma_start3A_111] : memref<10240x16xf32, #tpu.memory_space<vmem_shared>> -> memref<40x16xf32, #tpu.memory_space<vmem_shared>>
      %dma_start3A_113 = arith.constant 0 : i32
      %dma_start3A_114 = tpu.memref_slice %arg11[%add3A_53, %dma_start3A_113] : memref<10240x16xf32, #tpu.memory_space<vmem_shared>> -> memref<40x16xf32, #tpu.memory_space<vmem_shared>>
      tpu.enqueue_dma source(%arg5 : memref<40x16xf32, #tpu.memory_space<vmem>>) target(%dma_start3A_114 : memref<40x16xf32, #tpu.memory_space<vmem_shared>>) target_semaphore(%run_scoped3A : memref<!tpu.dma_semaphore, #tpu.memory_space<semaphore_mem>>)
      %dma_wait3A_115 = arith.constant 0 : i32
      %dma_wait3A_116 = tpu.memref_slice %arg11[%add3A_53, %dma_wait3A_115] : memref<10240x16xf32, #tpu.memory_space<vmem_shared>> -> memref<40x16xf32, #tpu.memory_space<vmem_shared>>
      %dma_wait3A_117 = arith.constant 0 : i32
      %dma_wait3A_118 = tpu.memref_slice %arg11[%add3A_53, %dma_wait3A_117] : memref<10240x16xf32, #tpu.memory_space<vmem_shared>> -> memref<40x16xf32, #tpu.memory_space<vmem_shared>>
      tpu.wait_dma2 semaphore(%run_scoped3A : memref<!tpu.dma_semaphore, #tpu.memory_space<semaphore_mem>>) src(%arg5 : memref<40x16xf32, #tpu.memory_space<vmem>>) dst(%dma_wait3A_118 : memref<40x16xf32, #tpu.memory_space<vmem_shared>>)
      tpu.yield
    }) : () -> ()
    %mul3A_54 = arith.constant 640 : i32
    %mul3A_55 = arith.muli %arg1, %mul3A_54 : i32
    %add3A_56 = arith.constant 480 : i32
    %add3A_57 = arith.addi %mul3A_55, %add3A_56 : i32
    "tpu.region"() ({
      %run_scoped3A = tpu.sem_alloc : memref<!tpu.dma_semaphore, #tpu.memory_space<semaphore_mem>>
      %dma_start3A_111 = arith.constant 0 : i32
      %dma_start3A_112 = tpu.memref_slice %arg11[%add3A_57, %dma_start3A_111] : memref<10240x16xf32, #tpu.memory_space<vmem_shared>> -> memref<40x16xf32, #tpu.memory_space<vmem_shared>>
      %dma_start3A_113 = arith.constant 0 : i32
      %dma_start3A_114 = tpu.memref_slice %arg11[%add3A_57, %dma_start3A_113] : memref<10240x16xf32, #tpu.memory_space<vmem_shared>> -> memref<40x16xf32, #tpu.memory_space<vmem_shared>>
      tpu.enqueue_dma source(%arg5 : memref<40x16xf32, #tpu.memory_space<vmem>>) target(%dma_start3A_114 : memref<40x16xf32, #tpu.memory_space<vmem_shared>>) target_semaphore(%run_scoped3A : memref<!tpu.dma_semaphore, #tpu.memory_space<semaphore_mem>>)
      %dma_wait3A_115 = arith.constant 0 : i32
      %dma_wait3A_116 = tpu.memref_slice %arg11[%add3A_57, %dma_wait3A_115] : memref<10240x16xf32, #tpu.memory_space<vmem_shared>> -> memref<40x16xf32, #tpu.memory_space<vmem_shared>>
      %dma_wait3A_117 = arith.constant 0 : i32
      %dma_wait3A_118 = tpu.memref_slice %arg11[%add3A_57, %dma_wait3A_117] : memref<10240x16xf32, #tpu.memory_space<vmem_shared>> -> memref<40x16xf32, #tpu.memory_space<vmem_shared>>
      tpu.wait_dma2 semaphore(%run_scoped3A : memref<!tpu.dma_semaphore, #tpu.memory_space<semaphore_mem>>) src(%arg5 : memref<40x16xf32, #tpu.memory_space<vmem>>) dst(%dma_wait3A_118 : memref<40x16xf32, #tpu.memory_space<vmem_shared>>)
      tpu.yield
    }) : () -> ()
    %mul3A_58 = arith.constant 640 : i32
    %mul3A_59 = arith.muli %arg1, %mul3A_58 : i32
    %add3A_60 = arith.constant 520 : i32
    %add3A_61 = arith.addi %mul3A_59, %add3A_60 : i32
    "tpu.region"() ({
      %run_scoped3A = tpu.sem_alloc : memref<!tpu.dma_semaphore, #tpu.memory_space<semaphore_mem>>
      %dma_start3A_111 = arith.constant 0 : i32
      %dma_start3A_112 = tpu.memref_slice %arg11[%add3A_61, %dma_start3A_111] : memref<10240x16xf32, #tpu.memory_space<vmem_shared>> -> memref<40x16xf32, #tpu.memory_space<vmem_shared>>
      %dma_start3A_113 = arith.constant 0 : i32
      %dma_start3A_114 = tpu.memref_slice %arg11[%add3A_61, %dma_start3A_113] : memref<10240x16xf32, #tpu.memory_space<vmem_shared>> -> memref<40x16xf32, #tpu.memory_space<vmem_shared>>
      tpu.enqueue_dma source(%arg5 : memref<40x16xf32, #tpu.memory_space<vmem>>) target(%dma_start3A_114 : memref<40x16xf32, #tpu.memory_space<vmem_shared>>) target_semaphore(%run_scoped3A : memref<!tpu.dma_semaphore, #tpu.memory_space<semaphore_mem>>)
      %dma_wait3A_115 = arith.constant 0 : i32
      %dma_wait3A_116 = tpu.memref_slice %arg11[%add3A_61, %dma_wait3A_115] : memref<10240x16xf32, #tpu.memory_space<vmem_shared>> -> memref<40x16xf32, #tpu.memory_space<vmem_shared>>
      %dma_wait3A_117 = arith.constant 0 : i32
      %dma_wait3A_118 = tpu.memref_slice %arg11[%add3A_61, %dma_wait3A_117] : memref<10240x16xf32, #tpu.memory_space<vmem_shared>> -> memref<40x16xf32, #tpu.memory_space<vmem_shared>>
      tpu.wait_dma2 semaphore(%run_scoped3A : memref<!tpu.dma_semaphore, #tpu.memory_space<semaphore_mem>>) src(%arg5 : memref<40x16xf32, #tpu.memory_space<vmem>>) dst(%dma_wait3A_118 : memref<40x16xf32, #tpu.memory_space<vmem_shared>>)
      tpu.yield
    }) : () -> ()
    %mul3A_62 = arith.constant 640 : i32
    %mul3A_63 = arith.muli %arg1, %mul3A_62 : i32
    %add3A_64 = arith.constant 560 : i32
    %add3A_65 = arith.addi %mul3A_63, %add3A_64 : i32
    "tpu.region"() ({
      %run_scoped3A = tpu.sem_alloc : memref<!tpu.dma_semaphore, #tpu.memory_space<semaphore_mem>>
      %dma_start3A_111 = arith.constant 0 : i32
      %dma_start3A_112 = tpu.memref_slice %arg11[%add3A_65, %dma_start3A_111] : memref<10240x16xf32, #tpu.memory_space<vmem_shared>> -> memref<40x16xf32, #tpu.memory_space<vmem_shared>>
      %dma_start3A_113 = arith.constant 0 : i32
      %dma_start3A_114 = tpu.memref_slice %arg11[%add3A_65, %dma_start3A_113] : memref<10240x16xf32, #tpu.memory_space<vmem_shared>> -> memref<40x16xf32, #tpu.memory_space<vmem_shared>>
      tpu.enqueue_dma source(%arg5 : memref<40x16xf32, #tpu.memory_space<vmem>>) target(%dma_start3A_114 : memref<40x16xf32, #tpu.memory_space<vmem_shared>>) target_semaphore(%run_scoped3A : memref<!tpu.dma_semaphore, #tpu.memory_space<semaphore_mem>>)
      %dma_wait3A_115 = arith.constant 0 : i32
      %dma_wait3A_116 = tpu.memref_slice %arg11[%add3A_65, %dma_wait3A_115] : memref<10240x16xf32, #tpu.memory_space<vmem_shared>> -> memref<40x16xf32, #tpu.memory_space<vmem_shared>>
      %dma_wait3A_117 = arith.constant 0 : i32
      %dma_wait3A_118 = tpu.memref_slice %arg11[%add3A_65, %dma_wait3A_117] : memref<10240x16xf32, #tpu.memory_space<vmem_shared>> -> memref<40x16xf32, #tpu.memory_space<vmem_shared>>
      tpu.wait_dma2 semaphore(%run_scoped3A : memref<!tpu.dma_semaphore, #tpu.memory_space<semaphore_mem>>) src(%arg5 : memref<40x16xf32, #tpu.memory_space<vmem>>) dst(%dma_wait3A_118 : memref<40x16xf32, #tpu.memory_space<vmem_shared>>)
      tpu.yield
    }) : () -> ()
    %mul3A_66 = arith.constant 640 : i32
    %mul3A_67 = arith.muli %arg1, %mul3A_66 : i32
    %add3A_68 = arith.constant 600 : i32
    %add3A_69 = arith.addi %mul3A_67, %add3A_68 : i32
    "tpu.region"() ({
      %run_scoped3A = tpu.sem_alloc : memref<!tpu.dma_semaphore, #tpu.memory_space<semaphore_mem>>
      %dma_start3A_111 = arith.constant 0 : i32
      %dma_start3A_112 = tpu.memref_slice %arg11[%add3A_69, %dma_start3A_111] : memref<10240x16xf32, #tpu.memory_space<vmem_shared>> -> memref<40x16xf32, #tpu.memory_space<vmem_shared>>
      %dma_start3A_113 = arith.constant 0 : i32
      %dma_start3A_114 = tpu.memref_slice %arg11[%add3A_69, %dma_start3A_113] : memref<10240x16xf32, #tpu.memory_space<vmem_shared>> -> memref<40x16xf32, #tpu.memory_space<vmem_shared>>
      tpu.enqueue_dma source(%arg5 : memref<40x16xf32, #tpu.memory_space<vmem>>) target(%dma_start3A_114 : memref<40x16xf32, #tpu.memory_space<vmem_shared>>) target_semaphore(%run_scoped3A : memref<!tpu.dma_semaphore, #tpu.memory_space<semaphore_mem>>)
      %dma_wait3A_115 = arith.constant 0 : i32
      %dma_wait3A_116 = tpu.memref_slice %arg11[%add3A_69, %dma_wait3A_115] : memref<10240x16xf32, #tpu.memory_space<vmem_shared>> -> memref<40x16xf32, #tpu.memory_space<vmem_shared>>
      %dma_wait3A_117 = arith.constant 0 : i32
      %dma_wait3A_118 = tpu.memref_slice %arg11[%add3A_69, %dma_wait3A_117] : memref<10240x16xf32, #tpu.memory_space<vmem_shared>> -> memref<40x16xf32, #tpu.memory_space<vmem_shared>>
      tpu.wait_dma2 semaphore(%run_scoped3A : memref<!tpu.dma_semaphore, #tpu.memory_space<semaphore_mem>>) src(%arg5 : memref<40x16xf32, #tpu.memory_space<vmem>>) dst(%dma_wait3A_118 : memref<40x16xf32, #tpu.memory_space<vmem_shared>>)
      tpu.yield
    }) : () -> ()
    %mul3A_70 = arith.constant 5000 : i32
    %mul3A_71 = arith.muli %add3A, %mul3A_70 : i32
    "tpu.region"() ({
      %run_scoped3A = tpu.sem_alloc : memref<!tpu.dma_semaphore, #tpu.memory_space<semaphore_mem>>
      %dma_start3A_111 = tpu.memref_slice %arg2[%mul3A_71] : memref<160000xi32, #tpu.memory_space<hbm>> -> memref<5000xi32, #tpu.memory_space<hbm>>
      %dma_start3A_112 = tpu.memref_slice %arg2[%mul3A_71] : memref<160000xi32, #tpu.memory_space<hbm>> -> memref<5000xi32, #tpu.memory_space<hbm>>
      tpu.enqueue_dma source(%dma_start3A_112 : memref<5000xi32, #tpu.memory_space<hbm>>) target(%arg6 : memref<5000xi32, #tpu.memory_space<vmem>>) target_semaphore(%run_scoped3A : memref<!tpu.dma_semaphore, #tpu.memory_space<semaphore_mem>>)
      %dma_wait3A_113 = tpu.memref_slice %arg2[%mul3A_71] : memref<160000xi32, #tpu.memory_space<hbm>> -> memref<5000xi32, #tpu.memory_space<hbm>>
      %dma_wait3A_114 = tpu.memref_slice %arg2[%mul3A_71] : memref<160000xi32, #tpu.memory_space<hbm>> -> memref<5000xi32, #tpu.memory_space<hbm>>
      tpu.wait_dma2 semaphore(%run_scoped3A : memref<!tpu.dma_semaphore, #tpu.memory_space<semaphore_mem>>) src(%dma_wait3A_114 : memref<5000xi32, #tpu.memory_space<hbm>>) dst(%arg6 : memref<5000xi32, #tpu.memory_space<vmem>>)
      tpu.yield
    }) : () -> ()
    %barrier3A = arith.constant 0 : index
    tpu.barrier barrier_id(%barrier3A)
    %scan3A_72 = arith.constant 0 : i32
    %scan3A_73 = arith.constant 0 : i32
    %scan3A_74 = arith.constant 31 : i32
    %scan3A_75 = arith.addi %scan3A_73, %scan3A_74 : i32
    %scan3A_76 = arith.constant 1 : i32
    scf.for %scan3A_111 = %scan3A_73 to %scan3A_75 step %scan3A_76  : i32 {
      %mul3A_112 = arith.constant 4 : i32
      %mul3A_113 = arith.muli %scan3A_111, %mul3A_112 : i32
      %add3A_114 = arith.constant 0 : i32
      %add3A_115 = arith.addi %mul3A_113, %add3A_114 : i32
      %ge3A = arith.constant 4 : i32
      %ge3A_116 = arith.cmpi sge, %add3A_115, %ge3A : i32
      %convert_element_type3A = arith.extui %ge3A_116 : i1 to i32
      %cond3A = arith.constant 0 : i32
      %cond3A_117 = arith.cmpi ne, %convert_element_type3A, %cond3A : i32
      scf.if %cond3A_117 {
        %sub3A = arith.constant 4 : i32
        %sub3A_169 = arith.subi %add3A_115, %sub3A : i32
        %mul3A_170 = arith.constant 40 : i32
        %mul3A_171 = arith.muli %sub3A_169, %mul3A_170 : i32
        %dma_wait3A_172 = tpu.memref_slice %arg6[%mul3A_171] : memref<5000xi32, #tpu.memory_space<vmem>> -> memref<40xi32, #tpu.memory_space<vmem>>
        %dma_wait3A_173 = arith.constant 0 : i32
        %dma_wait3A_174 = arith.constant 0 : i32
        %dma_wait3A_175 = tpu.memref_slice %arg11[%dma_wait3A_173, %dma_wait3A_174] : memref<10240x16xf32, #tpu.memory_space<vmem_shared>> -> memref<10240x16xf32, #tpu.memory_space<vmem_shared>>
        tpu.wait_indirect_dma semaphore(%arg7 : memref<!tpu.dma_semaphore, #tpu.memory_space<semaphore_mem>>) src(%arg4 : memref<40x16xf32, #tpu.memory_space<vmem>>) dst(%dma_wait3A_175 : memref<10240x16xf32, #tpu.memory_space<vmem_shared>>)
      } else {
      }
      %mul3A_118 = arith.constant 40 : i32
      %mul3A_119 = arith.muli %add3A_115, %mul3A_118 : i32
      %dma_start3A_120 = tpu.memref_slice %arg6[%mul3A_119] : memref<5000xi32, #tpu.memory_space<vmem>> -> memref<40xi32, #tpu.memory_space<vmem>>
      %dma_start3A_121 = arith.constant 0 : i32
      %dma_start3A_122 = arith.constant 0 : i32
      %dma_start3A_123 = tpu.memref_slice %arg11[%dma_start3A_121, %dma_start3A_122] : memref<10240x16xf32, #tpu.memory_space<vmem_shared>> -> memref<10240x16xf32, #tpu.memory_space<vmem_shared>>
      tpu.enqueue_indirect_dma source(%arg4 : memref<40x16xf32, #tpu.memory_space<vmem>>) target(%dma_start3A_123 : memref<10240x16xf32, #tpu.memory_space<vmem_shared>>) offsets(%dma_start3A_120 : memref<40xi32, #tpu.memory_space<vmem>>) semaphore(%arg7 : memref<!tpu.dma_semaphore, #tpu.memory_space<semaphore_mem>>) {add = true}
      %mul3A_124 = arith.constant 4 : i32
      %mul3A_125 = arith.muli %scan3A_111, %mul3A_124 : i32
      %add3A_126 = arith.constant 1 : i32
      %add3A_127 = arith.addi %mul3A_125, %add3A_126 : i32
      %ge3A_128 = arith.constant 4 : i32
      %ge3A_129 = arith.cmpi sge, %add3A_127, %ge3A_128 : i32
      %convert_element_type3A_130 = arith.extui %ge3A_129 : i1 to i32
      %cond3A_131 = arith.constant 0 : i32
      %cond3A_132 = arith.cmpi ne, %convert_element_type3A_130, %cond3A_131 : i32
      scf.if %cond3A_132 {
        %sub3A = arith.constant 4 : i32
        %sub3A_169 = arith.subi %add3A_127, %sub3A : i32
        %mul3A_170 = arith.constant 40 : i32
        %mul3A_171 = arith.muli %sub3A_169, %mul3A_170 : i32
        %dma_wait3A_172 = tpu.memref_slice %arg6[%mul3A_171] : memref<5000xi32, #tpu.memory_space<vmem>> -> memref<40xi32, #tpu.memory_space<vmem>>
        %dma_wait3A_173 = arith.constant 0 : i32
        %dma_wait3A_174 = arith.constant 0 : i32
        %dma_wait3A_175 = tpu.memref_slice %arg11[%dma_wait3A_173, %dma_wait3A_174] : memref<10240x16xf32, #tpu.memory_space<vmem_shared>> -> memref<10240x16xf32, #tpu.memory_space<vmem_shared>>
        tpu.wait_indirect_dma semaphore(%arg8 : memref<!tpu.dma_semaphore, #tpu.memory_space<semaphore_mem>>) src(%arg4 : memref<40x16xf32, #tpu.memory_space<vmem>>) dst(%dma_wait3A_175 : memref<10240x16xf32, #tpu.memory_space<vmem_shared>>)
      } else {
      }
      %mul3A_133 = arith.constant 40 : i32
      %mul3A_134 = arith.muli %add3A_127, %mul3A_133 : i32
      %dma_start3A_135 = tpu.memref_slice %arg6[%mul3A_134] : memref<5000xi32, #tpu.memory_space<vmem>> -> memref<40xi32, #tpu.memory_space<vmem>>
      %dma_start3A_136 = arith.constant 0 : i32
      %dma_start3A_137 = arith.constant 0 : i32
      %dma_start3A_138 = tpu.memref_slice %arg11[%dma_start3A_136, %dma_start3A_137] : memref<10240x16xf32, #tpu.memory_space<vmem_shared>> -> memref<10240x16xf32, #tpu.memory_space<vmem_shared>>
      tpu.enqueue_indirect_dma source(%arg4 : memref<40x16xf32, #tpu.memory_space<vmem>>) target(%dma_start3A_138 : memref<10240x16xf32, #tpu.memory_space<vmem_shared>>) offsets(%dma_start3A_135 : memref<40xi32, #tpu.memory_space<vmem>>) semaphore(%arg8 : memref<!tpu.dma_semaphore, #tpu.memory_space<semaphore_mem>>) {add = true}
      %mul3A_139 = arith.constant 4 : i32
      %mul3A_140 = arith.muli %scan3A_111, %mul3A_139 : i32
      %add3A_141 = arith.constant 2 : i32
      %add3A_142 = arith.addi %mul3A_140, %add3A_141 : i32
      %ge3A_143 = arith.constant 4 : i32
      %ge3A_144 = arith.cmpi sge, %add3A_142, %ge3A_143 : i32
      %convert_element_type3A_145 = arith.extui %ge3A_144 : i1 to i32
      %cond3A_146 = arith.constant 0 : i32
      %cond3A_147 = arith.cmpi ne, %convert_element_type3A_145, %cond3A_146 : i32
      scf.if %cond3A_147 {
        %sub3A = arith.constant 4 : i32
        %sub3A_169 = arith.subi %add3A_142, %sub3A : i32
        %mul3A_170 = arith.constant 40 : i32
        %mul3A_171 = arith.muli %sub3A_169, %mul3A_170 : i32
        %dma_wait3A_172 = tpu.memref_slice %arg6[%mul3A_171] : memref<5000xi32, #tpu.memory_space<vmem>> -> memref<40xi32, #tpu.memory_space<vmem>>
        %dma_wait3A_173 = arith.constant 0 : i32
        %dma_wait3A_174 = arith.constant 0 : i32
        %dma_wait3A_175 = tpu.memref_slice %arg11[%dma_wait3A_173, %dma_wait3A_174] : memref<10240x16xf32, #tpu.memory_space<vmem_shared>> -> memref<10240x16xf32, #tpu.memory_space<vmem_shared>>
        tpu.wait_indirect_dma semaphore(%arg9 : memref<!tpu.dma_semaphore, #tpu.memory_space<semaphore_mem>>) src(%arg4 : memref<40x16xf32, #tpu.memory_space<vmem>>) dst(%dma_wait3A_175 : memref<10240x16xf32, #tpu.memory_space<vmem_shared>>)
      } else {
      }
      %mul3A_148 = arith.constant 40 : i32
      %mul3A_149 = arith.muli %add3A_142, %mul3A_148 : i32
      %dma_start3A_150 = tpu.memref_slice %arg6[%mul3A_149] : memref<5000xi32, #tpu.memory_space<vmem>> -> memref<40xi32, #tpu.memory_space<vmem>>
      %dma_start3A_151 = arith.constant 0 : i32
      %dma_start3A_152 = arith.constant 0 : i32
      %dma_start3A_153 = tpu.memref_slice %arg11[%dma_start3A_151, %dma_start3A_152] : memref<10240x16xf32, #tpu.memory_space<vmem_shared>> -> memref<10240x16xf32, #tpu.memory_space<vmem_shared>>
      tpu.enqueue_indirect_dma source(%arg4 : memref<40x16xf32, #tpu.memory_space<vmem>>) target(%dma_start3A_153 : memref<10240x16xf32, #tpu.memory_space<vmem_shared>>) offsets(%dma_start3A_150 : memref<40xi32, #tpu.memory_space<vmem>>) semaphore(%arg9 : memref<!tpu.dma_semaphore, #tpu.memory_space<semaphore_mem>>) {add = true}
      %mul3A_154 = arith.constant 4 : i32
      %mul3A_155 = arith.muli %scan3A_111, %mul3A_154 : i32
      %add3A_156 = arith.constant 3 : i32
      %add3A_157 = arith.addi %mul3A_155, %add3A_156 : i32
      %ge3A_158 = arith.constant 4 : i32
      %ge3A_159 = arith.cmpi sge, %add3A_157, %ge3A_158 : i32
      %convert_element_type3A_160 = arith.extui %ge3A_159 : i1 to i32
      %cond3A_161 = arith.constant 0 : i32
      %cond3A_162 = arith.cmpi ne, %convert_element_type3A_160, %cond3A_161 : i32
      scf.if %cond3A_162 {
        %sub3A = arith.constant 4 : i32
        %sub3A_169 = arith.subi %add3A_157, %sub3A : i32
        %mul3A_170 = arith.constant 40 : i32
        %mul3A_171 = arith.muli %sub3A_169, %mul3A_170 : i32
        %dma_wait3A_172 = tpu.memref_slice %arg6[%mul3A_171] : memref<5000xi32, #tpu.memory_space<vmem>> -> memref<40xi32, #tpu.memory_space<vmem>>
        %dma_wait3A_173 = arith.constant 0 : i32
        %dma_wait3A_174 = arith.constant 0 : i32
        %dma_wait3A_175 = tpu.memref_slice %arg11[%dma_wait3A_173, %dma_wait3A_174] : memref<10240x16xf32, #tpu.memory_space<vmem_shared>> -> memref<10240x16xf32, #tpu.memory_space<vmem_shared>>
        tpu.wait_indirect_dma semaphore(%arg10 : memref<!tpu.dma_semaphore, #tpu.memory_space<semaphore_mem>>) src(%arg4 : memref<40x16xf32, #tpu.memory_space<vmem>>) dst(%dma_wait3A_175 : memref<10240x16xf32, #tpu.memory_space<vmem_shared>>)
      } else {
      }
      %mul3A_163 = arith.constant 40 : i32
      %mul3A_164 = arith.muli %add3A_157, %mul3A_163 : i32
      %dma_start3A_165 = tpu.memref_slice %arg6[%mul3A_164] : memref<5000xi32, #tpu.memory_space<vmem>> -> memref<40xi32, #tpu.memory_space<vmem>>
      %dma_start3A_166 = arith.constant 0 : i32
      %dma_start3A_167 = arith.constant 0 : i32
      %dma_start3A_168 = tpu.memref_slice %arg11[%dma_start3A_166, %dma_start3A_167] : memref<10240x16xf32, #tpu.memory_space<vmem_shared>> -> memref<10240x16xf32, #tpu.memory_space<vmem_shared>>
      tpu.enqueue_indirect_dma source(%arg4 : memref<40x16xf32, #tpu.memory_space<vmem>>) target(%dma_start3A_168 : memref<10240x16xf32, #tpu.memory_space<vmem_shared>>) offsets(%dma_start3A_165 : memref<40xi32, #tpu.memory_space<vmem>>) semaphore(%arg10 : memref<!tpu.dma_semaphore, #tpu.memory_space<semaphore_mem>>) {add = true}
    }
    %scan3A_77 = arith.constant 31 : i32
    %dma_wait3A = arith.constant 4800 : i32
    %dma_wait3A_78 = tpu.memref_slice %arg6[%dma_wait3A] : memref<5000xi32, #tpu.memory_space<vmem>> -> memref<40xi32, #tpu.memory_space<vmem>>
    %dma_wait3A_79 = arith.constant 0 : i32
    %dma_wait3A_80 = arith.constant 0 : i32
    %dma_wait3A_81 = tpu.memref_slice %arg11[%dma_wait3A_79, %dma_wait3A_80] : memref<10240x16xf32, #tpu.memory_space<vmem_shared>> -> memref<10240x16xf32, #tpu.memory_space<vmem_shared>>
    tpu.wait_indirect_dma semaphore(%arg7 : memref<!tpu.dma_semaphore, #tpu.memory_space<semaphore_mem>>) src(%arg4 : memref<40x16xf32, #tpu.memory_space<vmem>>) dst(%dma_wait3A_81 : memref<10240x16xf32, #tpu.memory_space<vmem_shared>>)
    %dma_start3A = arith.constant 4960 : i32
    %dma_start3A_82 = tpu.memref_slice %arg6[%dma_start3A] : memref<5000xi32, #tpu.memory_space<vmem>> -> memref<40xi32, #tpu.memory_space<vmem>>
    %dma_start3A_83 = arith.constant 0 : i32
    %dma_start3A_84 = arith.constant 0 : i32
    %dma_start3A_85 = tpu.memref_slice %arg11[%dma_start3A_83, %dma_start3A_84] : memref<10240x16xf32, #tpu.memory_space<vmem_shared>> -> memref<10240x16xf32, #tpu.memory_space<vmem_shared>>
    tpu.enqueue_indirect_dma source(%arg4 : memref<40x16xf32, #tpu.memory_space<vmem>>) target(%dma_start3A_85 : memref<10240x16xf32, #tpu.memory_space<vmem_shared>>) offsets(%dma_start3A_82 : memref<40xi32, #tpu.memory_space<vmem>>) semaphore(%arg7 : memref<!tpu.dma_semaphore, #tpu.memory_space<semaphore_mem>>) {add = true}
    %dma_wait3A_86 = arith.constant 4840 : i32
    %dma_wait3A_87 = tpu.memref_slice %arg6[%dma_wait3A_86] : memref<5000xi32, #tpu.memory_space<vmem>> -> memref<40xi32, #tpu.memory_space<vmem>>
    %dma_wait3A_88 = arith.constant 0 : i32
    %dma_wait3A_89 = arith.constant 0 : i32
    %dma_wait3A_90 = tpu.memref_slice %arg11[%dma_wait3A_88, %dma_wait3A_89] : memref<10240x16xf32, #tpu.memory_space<vmem_shared>> -> memref<10240x16xf32, #tpu.memory_space<vmem_shared>>
    tpu.wait_indirect_dma semaphore(%arg8 : memref<!tpu.dma_semaphore, #tpu.memory_space<semaphore_mem>>) src(%arg4 : memref<40x16xf32, #tpu.memory_space<vmem>>) dst(%dma_wait3A_90 : memref<10240x16xf32, #tpu.memory_space<vmem_shared>>)
    %dma_wait3A_91 = arith.constant 4880 : i32
    %dma_wait3A_92 = tpu.memref_slice %arg6[%dma_wait3A_91] : memref<5000xi32, #tpu.memory_space<vmem>> -> memref<40xi32, #tpu.memory_space<vmem>>
    %dma_wait3A_93 = arith.constant 0 : i32
    %dma_wait3A_94 = arith.constant 0 : i32
    %dma_wait3A_95 = tpu.memref_slice %arg11[%dma_wait3A_93, %dma_wait3A_94] : memref<10240x16xf32, #tpu.memory_space<vmem_shared>> -> memref<10240x16xf32, #tpu.memory_space<vmem_shared>>
    tpu.wait_indirect_dma semaphore(%arg9 : memref<!tpu.dma_semaphore, #tpu.memory_space<semaphore_mem>>) src(%arg4 : memref<40x16xf32, #tpu.memory_space<vmem>>) dst(%dma_wait3A_95 : memref<10240x16xf32, #tpu.memory_space<vmem_shared>>)
    %dma_wait3A_96 = arith.constant 4920 : i32
    %dma_wait3A_97 = tpu.memref_slice %arg6[%dma_wait3A_96] : memref<5000xi32, #tpu.memory_space<vmem>> -> memref<40xi32, #tpu.memory_space<vmem>>
    %dma_wait3A_98 = arith.constant 0 : i32
    %dma_wait3A_99 = arith.constant 0 : i32
    %dma_wait3A_100 = tpu.memref_slice %arg11[%dma_wait3A_98, %dma_wait3A_99] : memref<10240x16xf32, #tpu.memory_space<vmem_shared>> -> memref<10240x16xf32, #tpu.memory_space<vmem_shared>>
    tpu.wait_indirect_dma semaphore(%arg10 : memref<!tpu.dma_semaphore, #tpu.memory_space<semaphore_mem>>) src(%arg4 : memref<40x16xf32, #tpu.memory_space<vmem>>) dst(%dma_wait3A_100 : memref<10240x16xf32, #tpu.memory_space<vmem_shared>>)
    %dma_wait3A_101 = arith.constant 4960 : i32
    %dma_wait3A_102 = tpu.memref_slice %arg6[%dma_wait3A_101] : memref<5000xi32, #tpu.memory_space<vmem>> -> memref<40xi32, #tpu.memory_space<vmem>>
    %dma_wait3A_103 = arith.constant 0 : i32
    %dma_wait3A_104 = arith.constant 0 : i32
    %dma_wait3A_105 = tpu.memref_slice %arg11[%dma_wait3A_103, %dma_wait3A_104] : memref<10240x16xf32, #tpu.memory_space<vmem_shared>> -> memref<10240x16xf32, #tpu.memory_space<vmem_shared>>
    tpu.wait_indirect_dma semaphore(%arg7 : memref<!tpu.dma_semaphore, #tpu.memory_space<semaphore_mem>>) src(%arg4 : memref<40x16xf32, #tpu.memory_space<vmem>>) dst(%dma_wait3A_105 : memref<10240x16xf32, #tpu.memory_space<vmem_shared>>)
    %barrier3A_106 = arith.constant 0 : index
    tpu.barrier barrier_id(%barrier3A_106)
    %mul3A_107 = arith.constant 640 : i32
    %mul3A_108 = arith.muli %arg1, %mul3A_107 : i32
    %mul3A_109 = arith.constant 640 : i32
    %mul3A_110 = arith.muli %arg1, %mul3A_109 : i32
    "tpu.region"() ({
      %run_scoped3A = tpu.sem_alloc : memref<!tpu.dma_semaphore, #tpu.memory_space<semaphore_mem>>
      %dma_start3A_111 = arith.constant 0 : i32
      %dma_start3A_112 = tpu.memref_slice %arg3[%arg0, %mul3A_110, %dma_start3A_111] : memref<2x10240x16xf32, #tpu.memory_space<hbm>> -> memref<1x640x16xf32, #tpu.memory_space<hbm>>
      %dma_start3A_113 = tpu.memref_squeeze %dma_start3A_112 : memref<1x640x16xf32, #tpu.memory_space<hbm>> -> memref<640x16xf32, #tpu.memory_space<hbm>>
      %dma_start3A_114 = arith.constant 0 : i32
      %dma_start3A_115 = tpu.memref_slice %arg11[%mul3A_108, %dma_start3A_114] : memref<10240x16xf32, #tpu.memory_space<vmem_shared>> -> memref<640x16xf32, #tpu.memory_space<vmem_shared>>
      tpu.enqueue_dma source(%dma_start3A_115 : memref<640x16xf32, #tpu.memory_space<vmem_shared>>) target(%dma_start3A_113 : memref<640x16xf32, #tpu.memory_space<hbm>>) target_semaphore(%run_scoped3A : memref<!tpu.dma_semaphore, #tpu.memory_space<semaphore_mem>>)
      %dma_wait3A_116 = arith.constant 0 : i32
      %dma_wait3A_117 = tpu.memref_slice %arg3[%arg0, %mul3A_110, %dma_wait3A_116] : memref<2x10240x16xf32, #tpu.memory_space<hbm>> -> memref<1x640x16xf32, #tpu.memory_space<hbm>>
      %dma_wait3A_118 = tpu.memref_squeeze %dma_wait3A_117 : memref<1x640x16xf32, #tpu.memory_space<hbm>> -> memref<640x16xf32, #tpu.memory_space<hbm>>
      %dma_wait3A_119 = arith.constant 0 : i32
      %dma_wait3A_120 = tpu.memref_slice %arg11[%mul3A_108, %dma_wait3A_119] : memref<10240x16xf32, #tpu.memory_space<vmem_shared>> -> memref<640x16xf32, #tpu.memory_space<vmem_shared>>
      tpu.wait_dma2 semaphore(%run_scoped3A : memref<!tpu.dma_semaphore, #tpu.memory_space<semaphore_mem>>) src(%dma_wait3A_120 : memref<640x16xf32, #tpu.memory_space<vmem_shared>>) dst(%dma_wait3A_118 : memref<640x16xf32, #tpu.memory_space<hbm>>)
      tpu.yield
    }) : () -> ()
    return
  }
}

#map = affine_map<(d0, d1) -> (0, 0)>
#map1 = affine_map<(d0, d1) -> (0)>
#map2 = affine_map<(d0, d1) -> (0, 0, 0)>
module attributes {stable_mosaic.version = 14 : i64} {
  func.func @_k3_body(%arg0: i32, %arg1: i32, %arg2: memref<20000x128xbf16, #tpu.memory_space<hbm>>, %arg3: memref<160000xi32, #tpu.memory_space<hbm>>, %arg4: memref<160000xi32, #tpu.memory_space<hbm>>, %arg5: memref<2x10240x128xbf16, #tpu.memory_space<hbm>>, %arg6: memref<10000xi32, #tpu.memory_space<vmem>>, %arg7: memref<10000xi32, #tpu.memory_space<vmem>>, %arg8: memref<80x128xbf16, #tpu.memory_space<vmem>>, %arg9: memref<80x128xbf16, #tpu.memory_space<vmem>>, %arg10: memref<80x128xbf16, #tpu.memory_space<vmem>>, %arg11: memref<80x128xbf16, #tpu.memory_space<vmem>>, %arg12: memref<80x128xbf16, #tpu.memory_space<vmem>>, %arg13: memref<!tpu.dma_semaphore, #tpu.memory_space<semaphore_mem>>, %arg14: memref<!tpu.dma_semaphore, #tpu.memory_space<semaphore_mem>>, %arg15: memref<!tpu.dma_semaphore, #tpu.memory_space<semaphore_mem>>, %arg16: memref<!tpu.dma_semaphore, #tpu.memory_space<semaphore_mem>>, %arg17: memref<!tpu.dma_semaphore, #tpu.memory_space<semaphore_mem>>, %arg18: memref<!tpu.dma_semaphore, #tpu.memory_space<semaphore_mem>>, %arg19: memref<!tpu.dma_semaphore, #tpu.memory_space<semaphore_mem>>, %arg20: memref<!tpu.dma_semaphore, #tpu.memory_space<semaphore_mem>>, %arg21: memref<!tpu.dma_semaphore, #tpu.memory_space<semaphore_mem>>, %arg22: memref<!tpu.dma_semaphore, #tpu.memory_space<semaphore_mem>>, %arg23: memref<10240x128xbf16, #tpu.memory_space<vmem_shared>>) attributes {dimension_semantics = [#tpu.dimension_semantics<core_parallel>, #tpu.dimension_semantics<subcore_parallel>], iteration_bounds = array<i64: 2, 16>, scalar_prefetch = 0 : i64, scratch_operands = 18 : i64, tpu.core_type = #tpu.core_type<sc_vector_subcore>, window_params = [{transform_indices = #map}, {transform_indices = #map1}, {transform_indices = #map1}, {transform_indices = #map2}]} {
    %scan3A = arith.constant 0 : i32
    %scan3A_0 = arith.constant 0 : i32
    %scan3A_1 = arith.constant 80 : i32
    %scan3A_2 = arith.addi %scan3A_0, %scan3A_1 : i32
    %scan3A_3 = arith.constant 1 : i32
    scf.for %scan3A_81 = %scan3A_0 to %scan3A_2 step %scan3A_3  : i32 {
      %broadcast_in_dim3A = arith.constant 0.000000e+00 : bf16
      %broadcast_in_dim3A_82 = vector.broadcast %broadcast_in_dim3A : bf16 to vector<32xbf16>
      %swap3A = arith.index_cast %scan3A_81 : i32 to index
      %swap3A_83 = arith.constant 0 : index
      %swap3A_84 = tpu.vector_load %arg8[%swap3A, %swap3A_83] {strides = array<i32>} : memref<80x128xbf16, #tpu.memory_space<vmem>>, vector<1x32xbf16>,
      %swap3A_85 = vector.shape_cast %swap3A_84 : vector<1x32xbf16> to vector<32xbf16>
      %swap3A_86 = vector.shape_cast %broadcast_in_dim3A_82 : vector<32xbf16> to vector<1x32xbf16>
      tpu.vector_store %arg8[%swap3A, %swap3A_83], %swap3A_86 {strides = array<i32>} : memref<80x128xbf16, #tpu.memory_space<vmem>>, vector<1x32xbf16>,
      %broadcast_in_dim3A_87 = arith.constant 0.000000e+00 : bf16
      %broadcast_in_dim3A_88 = vector.broadcast %broadcast_in_dim3A_87 : bf16 to vector<32xbf16>
      %swap3A_89 = arith.index_cast %scan3A_81 : i32 to index
      %swap3A_90 = arith.constant 32 : index
      %swap3A_91 = tpu.vector_load %arg8[%swap3A_89, %swap3A_90] {strides = array<i32>} : memref<80x128xbf16, #tpu.memory_space<vmem>>, vector<1x32xbf16>,
      %swap3A_92 = vector.shape_cast %swap3A_91 : vector<1x32xbf16> to vector<32xbf16>
      %swap3A_93 = vector.shape_cast %broadcast_in_dim3A_88 : vector<32xbf16> to vector<1x32xbf16>
      tpu.vector_store %arg8[%swap3A_89, %swap3A_90], %swap3A_93 {strides = array<i32>} : memref<80x128xbf16, #tpu.memory_space<vmem>>, vector<1x32xbf16>,
      %broadcast_in_dim3A_94 = arith.constant 0.000000e+00 : bf16
      %broadcast_in_dim3A_95 = vector.broadcast %broadcast_in_dim3A_94 : bf16 to vector<32xbf16>
      %swap3A_96 = arith.index_cast %scan3A_81 : i32 to index
      %swap3A_97 = arith.constant 64 : index
      %swap3A_98 = tpu.vector_load %arg8[%swap3A_96, %swap3A_97] {strides = array<i32>} : memref<80x128xbf16, #tpu.memory_space<vmem>>, vector<1x32xbf16>,
      %swap3A_99 = vector.shape_cast %swap3A_98 : vector<1x32xbf16> to vector<32xbf16>
      %swap3A_100 = vector.shape_cast %broadcast_in_dim3A_95 : vector<32xbf16> to vector<1x32xbf16>
      tpu.vector_store %arg8[%swap3A_96, %swap3A_97], %swap3A_100 {strides = array<i32>} : memref<80x128xbf16, #tpu.memory_space<vmem>>, vector<1x32xbf16>,
      %broadcast_in_dim3A_101 = arith.constant 0.000000e+00 : bf16
      %broadcast_in_dim3A_102 = vector.broadcast %broadcast_in_dim3A_101 : bf16 to vector<32xbf16>
      %swap3A_103 = arith.index_cast %scan3A_81 : i32 to index
      %swap3A_104 = arith.constant 96 : index
      %swap3A_105 = tpu.vector_load %arg8[%swap3A_103, %swap3A_104] {strides = array<i32>} : memref<80x128xbf16, #tpu.memory_space<vmem>>, vector<1x32xbf16>,
      %swap3A_106 = vector.shape_cast %swap3A_105 : vector<1x32xbf16> to vector<32xbf16>
      %swap3A_107 = vector.shape_cast %broadcast_in_dim3A_102 : vector<32xbf16> to vector<1x32xbf16>
      tpu.vector_store %arg8[%swap3A_103, %swap3A_104], %swap3A_107 {strides = array<i32>} : memref<80x128xbf16, #tpu.memory_space<vmem>>, vector<1x32xbf16>,
    }
    %scan3A_4 = arith.constant 80 : i32
    %mul3A = arith.constant 640 : i32
    %mul3A_5 = arith.muli %arg1, %mul3A : i32
    %add3A = arith.constant 0 : i32
    %add3A_6 = arith.addi %mul3A_5, %add3A : i32
    "tpu.region"() ({
      %run_scoped3A = tpu.sem_alloc : memref<!tpu.dma_semaphore, #tpu.memory_space<semaphore_mem>>
      %dma_start3A_81 = arith.constant 0 : i32
      %dma_start3A_82 = tpu.memref_slice %arg23[%add3A_6, %dma_start3A_81] : memref<10240x128xbf16, #tpu.memory_space<vmem_shared>> -> memref<80x128xbf16, #tpu.memory_space<vmem_shared>>
      %dma_start3A_83 = arith.constant 0 : i32
      %dma_start3A_84 = tpu.memref_slice %arg23[%add3A_6, %dma_start3A_83] : memref<10240x128xbf16, #tpu.memory_space<vmem_shared>> -> memref<80x128xbf16, #tpu.memory_space<vmem_shared>>
      tpu.enqueue_dma source(%arg8 : memref<80x128xbf16, #tpu.memory_space<vmem>>) target(%dma_start3A_84 : memref<80x128xbf16, #tpu.memory_space<vmem_shared>>) target_semaphore(%run_scoped3A : memref<!tpu.dma_semaphore, #tpu.memory_space<semaphore_mem>>)
      %dma_wait3A_85 = arith.constant 0 : i32
      %dma_wait3A_86 = tpu.memref_slice %arg23[%add3A_6, %dma_wait3A_85] : memref<10240x128xbf16, #tpu.memory_space<vmem_shared>> -> memref<80x128xbf16, #tpu.memory_space<vmem_shared>>
      %dma_wait3A_87 = arith.constant 0 : i32
      %dma_wait3A_88 = tpu.memref_slice %arg23[%add3A_6, %dma_wait3A_87] : memref<10240x128xbf16, #tpu.memory_space<vmem_shared>> -> memref<80x128xbf16, #tpu.memory_space<vmem_shared>>
      tpu.wait_dma2 semaphore(%run_scoped3A : memref<!tpu.dma_semaphore, #tpu.memory_space<semaphore_mem>>) src(%arg8 : memref<80x128xbf16, #tpu.memory_space<vmem>>) dst(%dma_wait3A_88 : memref<80x128xbf16, #tpu.memory_space<vmem_shared>>)
      tpu.yield
    }) : () -> ()
    %mul3A_7 = arith.constant 640 : i32
    %mul3A_8 = arith.muli %arg1, %mul3A_7 : i32
    %add3A_9 = arith.constant 80 : i32
    %add3A_10 = arith.addi %mul3A_8, %add3A_9 : i32
    "tpu.region"() ({
      %run_scoped3A = tpu.sem_alloc : memref<!tpu.dma_semaphore, #tpu.memory_space<semaphore_mem>>
      %dma_start3A_81 = arith.constant 0 : i32
      %dma_start3A_82 = tpu.memref_slice %arg23[%add3A_10, %dma_start3A_81] : memref<10240x128xbf16, #tpu.memory_space<vmem_shared>> -> memref<80x128xbf16, #tpu.memory_space<vmem_shared>>
      %dma_start3A_83 = arith.constant 0 : i32
      %dma_start3A_84 = tpu.memref_slice %arg23[%add3A_10, %dma_start3A_83] : memref<10240x128xbf16, #tpu.memory_space<vmem_shared>> -> memref<80x128xbf16, #tpu.memory_space<vmem_shared>>
      tpu.enqueue_dma source(%arg8 : memref<80x128xbf16, #tpu.memory_space<vmem>>) target(%dma_start3A_84 : memref<80x128xbf16, #tpu.memory_space<vmem_shared>>) target_semaphore(%run_scoped3A : memref<!tpu.dma_semaphore, #tpu.memory_space<semaphore_mem>>)
      %dma_wait3A_85 = arith.constant 0 : i32
      %dma_wait3A_86 = tpu.memref_slice %arg23[%add3A_10, %dma_wait3A_85] : memref<10240x128xbf16, #tpu.memory_space<vmem_shared>> -> memref<80x128xbf16, #tpu.memory_space<vmem_shared>>
      %dma_wait3A_87 = arith.constant 0 : i32
      %dma_wait3A_88 = tpu.memref_slice %arg23[%add3A_10, %dma_wait3A_87] : memref<10240x128xbf16, #tpu.memory_space<vmem_shared>> -> memref<80x128xbf16, #tpu.memory_space<vmem_shared>>
      tpu.wait_dma2 semaphore(%run_scoped3A : memref<!tpu.dma_semaphore, #tpu.memory_space<semaphore_mem>>) src(%arg8 : memref<80x128xbf16, #tpu.memory_space<vmem>>) dst(%dma_wait3A_88 : memref<80x128xbf16, #tpu.memory_space<vmem_shared>>)
      tpu.yield
    }) : () -> ()
    %mul3A_11 = arith.constant 640 : i32
    %mul3A_12 = arith.muli %arg1, %mul3A_11 : i32
    %add3A_13 = arith.constant 160 : i32
    %add3A_14 = arith.addi %mul3A_12, %add3A_13 : i32
    "tpu.region"() ({
      %run_scoped3A = tpu.sem_alloc : memref<!tpu.dma_semaphore, #tpu.memory_space<semaphore_mem>>
      %dma_start3A_81 = arith.constant 0 : i32
      %dma_start3A_82 = tpu.memref_slice %arg23[%add3A_14, %dma_start3A_81] : memref<10240x128xbf16, #tpu.memory_space<vmem_shared>> -> memref<80x128xbf16, #tpu.memory_space<vmem_shared>>
      %dma_start3A_83 = arith.constant 0 : i32
      %dma_start3A_84 = tpu.memref_slice %arg23[%add3A_14, %dma_start3A_83] : memref<10240x128xbf16, #tpu.memory_space<vmem_shared>> -> memref<80x128xbf16, #tpu.memory_space<vmem_shared>>
      tpu.enqueue_dma source(%arg8 : memref<80x128xbf16, #tpu.memory_space<vmem>>) target(%dma_start3A_84 : memref<80x128xbf16, #tpu.memory_space<vmem_shared>>) target_semaphore(%run_scoped3A : memref<!tpu.dma_semaphore, #tpu.memory_space<semaphore_mem>>)
      %dma_wait3A_85 = arith.constant 0 : i32
      %dma_wait3A_86 = tpu.memref_slice %arg23[%add3A_14, %dma_wait3A_85] : memref<10240x128xbf16, #tpu.memory_space<vmem_shared>> -> memref<80x128xbf16, #tpu.memory_space<vmem_shared>>
      %dma_wait3A_87 = arith.constant 0 : i32
      %dma_wait3A_88 = tpu.memref_slice %arg23[%add3A_14, %dma_wait3A_87] : memref<10240x128xbf16, #tpu.memory_space<vmem_shared>> -> memref<80x128xbf16, #tpu.memory_space<vmem_shared>>
      tpu.wait_dma2 semaphore(%run_scoped3A : memref<!tpu.dma_semaphore, #tpu.memory_space<semaphore_mem>>) src(%arg8 : memref<80x128xbf16, #tpu.memory_space<vmem>>) dst(%dma_wait3A_88 : memref<80x128xbf16, #tpu.memory_space<vmem_shared>>)
      tpu.yield
    }) : () -> ()
    %mul3A_15 = arith.constant 640 : i32
    %mul3A_16 = arith.muli %arg1, %mul3A_15 : i32
    %add3A_17 = arith.constant 240 : i32
    %add3A_18 = arith.addi %mul3A_16, %add3A_17 : i32
    "tpu.region"() ({
      %run_scoped3A = tpu.sem_alloc : memref<!tpu.dma_semaphore, #tpu.memory_space<semaphore_mem>>
      %dma_start3A_81 = arith.constant 0 : i32
      %dma_start3A_82 = tpu.memref_slice %arg23[%add3A_18, %dma_start3A_81] : memref<10240x128xbf16, #tpu.memory_space<vmem_shared>> -> memref<80x128xbf16, #tpu.memory_space<vmem_shared>>
      %dma_start3A_83 = arith.constant 0 : i32
      %dma_start3A_84 = tpu.memref_slice %arg23[%add3A_18, %dma_start3A_83] : memref<10240x128xbf16, #tpu.memory_space<vmem_shared>> -> memref<80x128xbf16, #tpu.memory_space<vmem_shared>>
      tpu.enqueue_dma source(%arg8 : memref<80x128xbf16, #tpu.memory_space<vmem>>) target(%dma_start3A_84 : memref<80x128xbf16, #tpu.memory_space<vmem_shared>>) target_semaphore(%run_scoped3A : memref<!tpu.dma_semaphore, #tpu.memory_space<semaphore_mem>>)
      %dma_wait3A_85 = arith.constant 0 : i32
      %dma_wait3A_86 = tpu.memref_slice %arg23[%add3A_18, %dma_wait3A_85] : memref<10240x128xbf16, #tpu.memory_space<vmem_shared>> -> memref<80x128xbf16, #tpu.memory_space<vmem_shared>>
      %dma_wait3A_87 = arith.constant 0 : i32
      %dma_wait3A_88 = tpu.memref_slice %arg23[%add3A_18, %dma_wait3A_87] : memref<10240x128xbf16, #tpu.memory_space<vmem_shared>> -> memref<80x128xbf16, #tpu.memory_space<vmem_shared>>
      tpu.wait_dma2 semaphore(%run_scoped3A : memref<!tpu.dma_semaphore, #tpu.memory_space<semaphore_mem>>) src(%arg8 : memref<80x128xbf16, #tpu.memory_space<vmem>>) dst(%dma_wait3A_88 : memref<80x128xbf16, #tpu.memory_space<vmem_shared>>)
      tpu.yield
    }) : () -> ()
    %mul3A_19 = arith.constant 640 : i32
    %mul3A_20 = arith.muli %arg1, %mul3A_19 : i32
    %add3A_21 = arith.constant 320 : i32
    %add3A_22 = arith.addi %mul3A_20, %add3A_21 : i32
    "tpu.region"() ({
      %run_scoped3A = tpu.sem_alloc : memref<!tpu.dma_semaphore, #tpu.memory_space<semaphore_mem>>
      %dma_start3A_81 = arith.constant 0 : i32
      %dma_start3A_82 = tpu.memref_slice %arg23[%add3A_22, %dma_start3A_81] : memref<10240x128xbf16, #tpu.memory_space<vmem_shared>> -> memref<80x128xbf16, #tpu.memory_space<vmem_shared>>
      %dma_start3A_83 = arith.constant 0 : i32
      %dma_start3A_84 = tpu.memref_slice %arg23[%add3A_22, %dma_start3A_83] : memref<10240x128xbf16, #tpu.memory_space<vmem_shared>> -> memref<80x128xbf16, #tpu.memory_space<vmem_shared>>
      tpu.enqueue_dma source(%arg8 : memref<80x128xbf16, #tpu.memory_space<vmem>>) target(%dma_start3A_84 : memref<80x128xbf16, #tpu.memory_space<vmem_shared>>) target_semaphore(%run_scoped3A : memref<!tpu.dma_semaphore, #tpu.memory_space<semaphore_mem>>)
      %dma_wait3A_85 = arith.constant 0 : i32
      %dma_wait3A_86 = tpu.memref_slice %arg23[%add3A_22, %dma_wait3A_85] : memref<10240x128xbf16, #tpu.memory_space<vmem_shared>> -> memref<80x128xbf16, #tpu.memory_space<vmem_shared>>
      %dma_wait3A_87 = arith.constant 0 : i32
      %dma_wait3A_88 = tpu.memref_slice %arg23[%add3A_22, %dma_wait3A_87] : memref<10240x128xbf16, #tpu.memory_space<vmem_shared>> -> memref<80x128xbf16, #tpu.memory_space<vmem_shared>>
      tpu.wait_dma2 semaphore(%run_scoped3A : memref<!tpu.dma_semaphore, #tpu.memory_space<semaphore_mem>>) src(%arg8 : memref<80x128xbf16, #tpu.memory_space<vmem>>) dst(%dma_wait3A_88 : memref<80x128xbf16, #tpu.memory_space<vmem_shared>>)
      tpu.yield
    }) : () -> ()
    %mul3A_23 = arith.constant 640 : i32
    %mul3A_24 = arith.muli %arg1, %mul3A_23 : i32
    %add3A_25 = arith.constant 400 : i32
    %add3A_26 = arith.addi %mul3A_24, %add3A_25 : i32
    "tpu.region"() ({
      %run_scoped3A = tpu.sem_alloc : memref<!tpu.dma_semaphore, #tpu.memory_space<semaphore_mem>>
      %dma_start3A_81 = arith.constant 0 : i32
      %dma_start3A_82 = tpu.memref_slice %arg23[%add3A_26, %dma_start3A_81] : memref<10240x128xbf16, #tpu.memory_space<vmem_shared>> -> memref<80x128xbf16, #tpu.memory_space<vmem_shared>>
      %dma_start3A_83 = arith.constant 0 : i32
      %dma_start3A_84 = tpu.memref_slice %arg23[%add3A_26, %dma_start3A_83] : memref<10240x128xbf16, #tpu.memory_space<vmem_shared>> -> memref<80x128xbf16, #tpu.memory_space<vmem_shared>>
      tpu.enqueue_dma source(%arg8 : memref<80x128xbf16, #tpu.memory_space<vmem>>) target(%dma_start3A_84 : memref<80x128xbf16, #tpu.memory_space<vmem_shared>>) target_semaphore(%run_scoped3A : memref<!tpu.dma_semaphore, #tpu.memory_space<semaphore_mem>>)
      %dma_wait3A_85 = arith.constant 0 : i32
      %dma_wait3A_86 = tpu.memref_slice %arg23[%add3A_26, %dma_wait3A_85] : memref<10240x128xbf16, #tpu.memory_space<vmem_shared>> -> memref<80x128xbf16, #tpu.memory_space<vmem_shared>>
      %dma_wait3A_87 = arith.constant 0 : i32
      %dma_wait3A_88 = tpu.memref_slice %arg23[%add3A_26, %dma_wait3A_87] : memref<10240x128xbf16, #tpu.memory_space<vmem_shared>> -> memref<80x128xbf16, #tpu.memory_space<vmem_shared>>
      tpu.wait_dma2 semaphore(%run_scoped3A : memref<!tpu.dma_semaphore, #tpu.memory_space<semaphore_mem>>) src(%arg8 : memref<80x128xbf16, #tpu.memory_space<vmem>>) dst(%dma_wait3A_88 : memref<80x128xbf16, #tpu.memory_space<vmem_shared>>)
      tpu.yield
    }) : () -> ()
    %mul3A_27 = arith.constant 640 : i32
    %mul3A_28 = arith.muli %arg1, %mul3A_27 : i32
    %add3A_29 = arith.constant 480 : i32
    %add3A_30 = arith.addi %mul3A_28, %add3A_29 : i32
    "tpu.region"() ({
      %run_scoped3A = tpu.sem_alloc : memref<!tpu.dma_semaphore, #tpu.memory_space<semaphore_mem>>
      %dma_start3A_81 = arith.constant 0 : i32
      %dma_start3A_82 = tpu.memref_slice %arg23[%add3A_30, %dma_start3A_81] : memref<10240x128xbf16, #tpu.memory_space<vmem_shared>> -> memref<80x128xbf16, #tpu.memory_space<vmem_shared>>
      %dma_start3A_83 = arith.constant 0 : i32
      %dma_start3A_84 = tpu.memref_slice %arg23[%add3A_30, %dma_start3A_83] : memref<10240x128xbf16, #tpu.memory_space<vmem_shared>> -> memref<80x128xbf16, #tpu.memory_space<vmem_shared>>
      tpu.enqueue_dma source(%arg8 : memref<80x128xbf16, #tpu.memory_space<vmem>>) target(%dma_start3A_84 : memref<80x128xbf16, #tpu.memory_space<vmem_shared>>) target_semaphore(%run_scoped3A : memref<!tpu.dma_semaphore, #tpu.memory_space<semaphore_mem>>)
      %dma_wait3A_85 = arith.constant 0 : i32
      %dma_wait3A_86 = tpu.memref_slice %arg23[%add3A_30, %dma_wait3A_85] : memref<10240x128xbf16, #tpu.memory_space<vmem_shared>> -> memref<80x128xbf16, #tpu.memory_space<vmem_shared>>
      %dma_wait3A_87 = arith.constant 0 : i32
      %dma_wait3A_88 = tpu.memref_slice %arg23[%add3A_30, %dma_wait3A_87] : memref<10240x128xbf16, #tpu.memory_space<vmem_shared>> -> memref<80x128xbf16, #tpu.memory_space<vmem_shared>>
      tpu.wait_dma2 semaphore(%run_scoped3A : memref<!tpu.dma_semaphore, #tpu.memory_space<semaphore_mem>>) src(%arg8 : memref<80x128xbf16, #tpu.memory_space<vmem>>) dst(%dma_wait3A_88 : memref<80x128xbf16, #tpu.memory_space<vmem_shared>>)
      tpu.yield
    }) : () -> ()
    %mul3A_31 = arith.constant 640 : i32
    %mul3A_32 = arith.muli %arg1, %mul3A_31 : i32
    %add3A_33 = arith.constant 560 : i32
    %add3A_34 = arith.addi %mul3A_32, %add3A_33 : i32
    "tpu.region"() ({
      %run_scoped3A = tpu.sem_alloc : memref<!tpu.dma_semaphore, #tpu.memory_space<semaphore_mem>>
      %dma_start3A_81 = arith.constant 0 : i32
      %dma_start3A_82 = tpu.memref_slice %arg23[%add3A_34, %dma_start3A_81] : memref<10240x128xbf16, #tpu.memory_space<vmem_shared>> -> memref<80x128xbf16, #tpu.memory_space<vmem_shared>>
      %dma_start3A_83 = arith.constant 0 : i32
      %dma_start3A_84 = tpu.memref_slice %arg23[%add3A_34, %dma_start3A_83] : memref<10240x128xbf16, #tpu.memory_space<vmem_shared>> -> memref<80x128xbf16, #tpu.memory_space<vmem_shared>>
      tpu.enqueue_dma source(%arg8 : memref<80x128xbf16, #tpu.memory_space<vmem>>) target(%dma_start3A_84 : memref<80x128xbf16, #tpu.memory_space<vmem_shared>>) target_semaphore(%run_scoped3A : memref<!tpu.dma_semaphore, #tpu.memory_space<semaphore_mem>>)
      %dma_wait3A_85 = arith.constant 0 : i32
      %dma_wait3A_86 = tpu.memref_slice %arg23[%add3A_34, %dma_wait3A_85] : memref<10240x128xbf16, #tpu.memory_space<vmem_shared>> -> memref<80x128xbf16, #tpu.memory_space<vmem_shared>>
      %dma_wait3A_87 = arith.constant 0 : i32
      %dma_wait3A_88 = tpu.memref_slice %arg23[%add3A_34, %dma_wait3A_87] : memref<10240x128xbf16, #tpu.memory_space<vmem_shared>> -> memref<80x128xbf16, #tpu.memory_space<vmem_shared>>
      tpu.wait_dma2 semaphore(%run_scoped3A : memref<!tpu.dma_semaphore, #tpu.memory_space<semaphore_mem>>) src(%arg8 : memref<80x128xbf16, #tpu.memory_space<vmem>>) dst(%dma_wait3A_88 : memref<80x128xbf16, #tpu.memory_space<vmem_shared>>)
      tpu.yield
    }) : () -> ()
    %mul3A_35 = arith.constant 10000 : i32
    %mul3A_36 = arith.muli %arg1, %mul3A_35 : i32
    "tpu.region"() ({
      %run_scoped3A = tpu.sem_alloc : memref<!tpu.dma_semaphore, #tpu.memory_space<semaphore_mem>>
      %dma_start3A_81 = tpu.memref_slice %arg3[%mul3A_36] : memref<160000xi32, #tpu.memory_space<hbm>> -> memref<10000xi32, #tpu.memory_space<hbm>>
      %dma_start3A_82 = tpu.memref_slice %arg3[%mul3A_36] : memref<160000xi32, #tpu.memory_space<hbm>> -> memref<10000xi32, #tpu.memory_space<hbm>>
      tpu.enqueue_dma source(%dma_start3A_82 : memref<10000xi32, #tpu.memory_space<hbm>>) target(%arg6 : memref<10000xi32, #tpu.memory_space<vmem>>) target_semaphore(%run_scoped3A : memref<!tpu.dma_semaphore, #tpu.memory_space<semaphore_mem>>)
      %dma_wait3A_83 = tpu.memref_slice %arg3[%mul3A_36] : memref<160000xi32, #tpu.memory_space<hbm>> -> memref<10000xi32, #tpu.memory_space<hbm>>
      %dma_wait3A_84 = tpu.memref_slice %arg3[%mul3A_36] : memref<160000xi32, #tpu.memory_space<hbm>> -> memref<10000xi32, #tpu.memory_space<hbm>>
      tpu.wait_dma2 semaphore(%run_scoped3A : memref<!tpu.dma_semaphore, #tpu.memory_space<semaphore_mem>>) src(%dma_wait3A_84 : memref<10000xi32, #tpu.memory_space<hbm>>) dst(%arg6 : memref<10000xi32, #tpu.memory_space<vmem>>)
      tpu.yield
    }) : () -> ()
    %mul3A_37 = arith.constant 10000 : i32
    %mul3A_38 = arith.muli %arg1, %mul3A_37 : i32
    "tpu.region"() ({
      %run_scoped3A = tpu.sem_alloc : memref<!tpu.dma_semaphore, #tpu.memory_space<semaphore_mem>>
      %dma_start3A_81 = tpu.memref_slice %arg4[%mul3A_38] : memref<160000xi32, #tpu.memory_space<hbm>> -> memref<10000xi32, #tpu.memory_space<hbm>>
      %dma_start3A_82 = tpu.memref_slice %arg4[%mul3A_38] : memref<160000xi32, #tpu.memory_space<hbm>> -> memref<10000xi32, #tpu.memory_space<hbm>>
      tpu.enqueue_dma source(%dma_start3A_82 : memref<10000xi32, #tpu.memory_space<hbm>>) target(%arg7 : memref<10000xi32, #tpu.memory_space<vmem>>) target_semaphore(%run_scoped3A : memref<!tpu.dma_semaphore, #tpu.memory_space<semaphore_mem>>)
      %dma_wait3A_83 = tpu.memref_slice %arg4[%mul3A_38] : memref<160000xi32, #tpu.memory_space<hbm>> -> memref<10000xi32, #tpu.memory_space<hbm>>
      %dma_wait3A_84 = tpu.memref_slice %arg4[%mul3A_38] : memref<160000xi32, #tpu.memory_space<hbm>> -> memref<10000xi32, #tpu.memory_space<hbm>>
      tpu.wait_dma2 semaphore(%run_scoped3A : memref<!tpu.dma_semaphore, #tpu.memory_space<semaphore_mem>>) src(%dma_wait3A_84 : memref<10000xi32, #tpu.memory_space<hbm>>) dst(%arg7 : memref<10000xi32, #tpu.memory_space<vmem>>)
      tpu.yield
    }) : () -> ()
    %mul3A_39 = arith.constant 10000 : i32
    %mul3A_40 = arith.muli %arg0, %mul3A_39 : i32
    %scan3A_41 = arith.constant 0 : i32
    %scan3A_42 = arith.constant 0 : i32
    %scan3A_43 = arith.constant 625 : i32
    %scan3A_44 = arith.addi %scan3A_42, %scan3A_43 : i32
    %scan3A_45 = arith.constant 1 : i32
    scf.for %scan3A_81 = %scan3A_42 to %scan3A_44 step %scan3A_45  : i32 {
      %mul3A_82 = arith.constant 16 : i32
      %mul3A_83 = arith.muli %scan3A_81, %mul3A_82 : i32
      %get3A = arith.index_cast %mul3A_83 : i32 to index
      %get3A_84 = tpu.vector_load %arg6[%get3A] {strides = array<i32>} : memref<10000xi32, #tpu.memory_space<vmem>>, vector<16xi32>,
      %get3A_85 = vector.shape_cast %get3A_84 : vector<16xi32> to vector<16xi32>
      %add3A_86 = vector.broadcast %mul3A_40 : i32 to vector<16xi32>
      %add3A_87 = arith.addi %get3A_85, %add3A_86 : vector<16xi32>
      %mul3A_88 = arith.constant 16 : i32
      %mul3A_89 = arith.muli %scan3A_81, %mul3A_88 : i32
      %swap3A = arith.index_cast %mul3A_89 : i32 to index
      %swap3A_90 = tpu.vector_load %arg6[%swap3A] {strides = array<i32>} : memref<10000xi32, #tpu.memory_space<vmem>>, vector<16xi32>,
      %swap3A_91 = vector.shape_cast %swap3A_90 : vector<16xi32> to vector<16xi32>
      %swap3A_92 = vector.shape_cast %add3A_87 : vector<16xi32> to vector<16xi32>
      tpu.vector_store %arg6[%swap3A], %swap3A_92 {strides = array<i32>} : memref<10000xi32, #tpu.memory_space<vmem>>, vector<16xi32>,
    }
    %scan3A_46 = arith.constant 625 : i32
    %barrier3A = arith.constant 0 : index
    tpu.barrier barrier_id(%barrier3A)
    %dma_start3A = arith.constant 0 : i32
    %dma_start3A_47 = tpu.memref_slice %arg6[%dma_start3A] : memref<10000xi32, #tpu.memory_space<vmem>> -> memref<80xi32, #tpu.memory_space<vmem>>
    %dma_start3A_48 = arith.constant 0 : i32
    %dma_start3A_49 = arith.constant 0 : i32
    %dma_start3A_50 = tpu.memref_slice %arg2[%dma_start3A_48, %dma_start3A_49] : memref<20000x128xbf16, #tpu.memory_space<hbm>> -> memref<20000x128xbf16, #tpu.memory_space<hbm>>
    tpu.enqueue_indirect_dma source(%dma_start3A_50 : memref<20000x128xbf16, #tpu.memory_space<hbm>>) target(%arg8 : memref<80x128xbf16, #tpu.memory_space<vmem>>) offsets(%dma_start3A_47 : memref<80xi32, #tpu.memory_space<vmem>>) semaphore(%arg13 : memref<!tpu.dma_semaphore, #tpu.memory_space<semaphore_mem>>)
    %dma_start3A_51 = arith.constant 80 : i32
    %dma_start3A_52 = tpu.memref_slice %arg6[%dma_start3A_51] : memref<10000xi32, #tpu.memory_space<vmem>> -> memref<80xi32, #tpu.memory_space<vmem>>
    %dma_start3A_53 = arith.constant 0 : i32
    %dma_start3A_54 = arith.constant 0 : i32
    %dma_start3A_55 = tpu.memref_slice %arg2[%dma_start3A_53, %dma_start3A_54] : memref<20000x128xbf16, #tpu.memory_space<hbm>> -> memref<20000x128xbf16, #tpu.memory_space<hbm>>
    tpu.enqueue_indirect_dma source(%dma_start3A_55 : memref<20000x128xbf16, #tpu.memory_space<hbm>>) target(%arg9 : memref<80x128xbf16, #tpu.memory_space<vmem>>) offsets(%dma_start3A_52 : memref<80xi32, #tpu.memory_space<vmem>>) semaphore(%arg14 : memref<!tpu.dma_semaphore, #tpu.memory_space<semaphore_mem>>)
    %dma_start3A_56 = arith.constant 160 : i32
    %dma_start3A_57 = tpu.memref_slice %arg6[%dma_start3A_56] : memref<10000xi32, #tpu.memory_space<vmem>> -> memref<80xi32, #tpu.memory_space<vmem>>
    %dma_start3A_58 = arith.constant 0 : i32
    %dma_start3A_59 = arith.constant 0 : i32
    %dma_start3A_60 = tpu.memref_slice %arg2[%dma_start3A_58, %dma_start3A_59] : memref<20000x128xbf16, #tpu.memory_space<hbm>> -> memref<20000x128xbf16, #tpu.memory_space<hbm>>
    tpu.enqueue_indirect_dma source(%dma_start3A_60 : memref<20000x128xbf16, #tpu.memory_space<hbm>>) target(%arg10 : memref<80x128xbf16, #tpu.memory_space<vmem>>) offsets(%dma_start3A_57 : memref<80xi32, #tpu.memory_space<vmem>>) semaphore(%arg15 : memref<!tpu.dma_semaphore, #tpu.memory_space<semaphore_mem>>)
    %scan3A_61 = arith.constant 0 : i32
    %scan3A_62 = arith.constant 0 : i32
    %scan3A_63 = arith.constant 25 : i32
    %scan3A_64 = arith.addi %scan3A_62, %scan3A_63 : i32
    %scan3A_65 = arith.constant 1 : i32
    scf.for %scan3A_81 = %scan3A_62 to %scan3A_64 step %scan3A_65  : i32 {
      %mul3A_82 = arith.constant 5 : i32
      %mul3A_83 = arith.muli %scan3A_81, %mul3A_82 : i32
      %add3A_84 = arith.constant 0 : i32
      %add3A_85 = arith.addi %mul3A_83, %add3A_84 : i32
      %mul3A_86 = arith.constant 80 : i32
      %mul3A_87 = arith.muli %add3A_85, %mul3A_86 : i32
      %dma_wait3A_88 = tpu.memref_slice %arg6[%mul3A_87] : memref<10000xi32, #tpu.memory_space<vmem>> -> memref<80xi32, #tpu.memory_space<vmem>>
      %dma_wait3A_89 = arith.constant 0 : i32
      %dma_wait3A_90 = arith.constant 0 : i32
      %dma_wait3A_91 = tpu.memref_slice %arg2[%dma_wait3A_89, %dma_wait3A_90] : memref<20000x128xbf16, #tpu.memory_space<hbm>> -> memref<20000x128xbf16, #tpu.memory_space<hbm>>
      tpu.wait_indirect_dma semaphore(%arg13 : memref<!tpu.dma_semaphore, #tpu.memory_space<semaphore_mem>>) src(%dma_wait3A_91 : memref<20000x128xbf16, #tpu.memory_space<hbm>>) dst(%arg8 : memref<80x128xbf16, #tpu.memory_space<vmem>>)
      %mul3A_92 = arith.constant 80 : i32
      %mul3A_93 = arith.muli %add3A_85, %mul3A_92 : i32
      %dma_start3A_94 = tpu.memref_slice %arg7[%mul3A_93] : memref<10000xi32, #tpu.memory_space<vmem>> -> memref<80xi32, #tpu.memory_space<vmem>>
      %dma_start3A_95 = arith.constant 0 : i32
      %dma_start3A_96 = arith.constant 0 : i32
      %dma_start3A_97 = tpu.memref_slice %arg23[%dma_start3A_95, %dma_start3A_96] : memref<10240x128xbf16, #tpu.memory_space<vmem_shared>> -> memref<10240x128xbf16, #tpu.memory_space<vmem_shared>>
      tpu.enqueue_indirect_dma source(%arg8 : memref<80x128xbf16, #tpu.memory_space<vmem>>) target(%dma_start3A_97 : memref<10240x128xbf16, #tpu.memory_space<vmem_shared>>) offsets(%dma_start3A_94 : memref<80xi32, #tpu.memory_space<vmem>>) semaphore(%arg18 : memref<!tpu.dma_semaphore, #tpu.memory_space<semaphore_mem>>) {add = true}
      %ge3A = arith.constant 2 : i32
      %ge3A_98 = arith.cmpi sge, %add3A_85, %ge3A : i32
      %convert_element_type3A = arith.extui %ge3A_98 : i1 to i32
      %cond3A = arith.constant 0 : i32
      %cond3A_99 = arith.cmpi ne, %convert_element_type3A, %cond3A : i32
      scf.if %cond3A_99 {
        %sub3A = arith.constant 2 : i32
        %sub3A_218 = arith.subi %add3A_85, %sub3A : i32
        %mul3A_219 = arith.constant 80 : i32
        %mul3A_220 = arith.muli %sub3A_218, %mul3A_219 : i32
        %dma_wait3A_221 = tpu.memref_slice %arg7[%mul3A_220] : memref<10000xi32, #tpu.memory_space<vmem>> -> memref<80xi32, #tpu.memory_space<vmem>>
        %dma_wait3A_222 = arith.constant 0 : i32
        %dma_wait3A_223 = arith.constant 0 : i32
        %dma_wait3A_224 = tpu.memref_slice %arg23[%dma_wait3A_222, %dma_wait3A_223] : memref<10240x128xbf16, #tpu.memory_space<vmem_shared>> -> memref<10240x128xbf16, #tpu.memory_space<vmem_shared>>
        tpu.wait_indirect_dma semaphore(%arg21 : memref<!tpu.dma_semaphore, #tpu.memory_space<semaphore_mem>>) src(%arg11 : memref<80x128xbf16, #tpu.memory_space<vmem>>) dst(%dma_wait3A_224 : memref<10240x128xbf16, #tpu.memory_space<vmem_shared>>)
      } else {
      }
      %add3A_100 = arith.constant 3 : i32
      %add3A_101 = arith.addi %add3A_85, %add3A_100 : i32
      %lt3A = arith.constant 125 : i32
      %lt3A_102 = arith.cmpi slt, %add3A_101, %lt3A : i32
      %convert_element_type3A_103 = arith.extui %lt3A_102 : i1 to i32
      %cond3A_104 = arith.constant 0 : i32
      %cond3A_105 = arith.cmpi ne, %convert_element_type3A_103, %cond3A_104 : i32
      scf.if %cond3A_105 {
        %add3A_218 = arith.constant 3 : i32
        %add3A_219 = arith.addi %add3A_85, %add3A_218 : i32
        %mul3A_220 = arith.constant 80 : i32
        %mul3A_221 = arith.muli %add3A_219, %mul3A_220 : i32
        %dma_start3A_222 = tpu.memref_slice %arg6[%mul3A_221] : memref<10000xi32, #tpu.memory_space<vmem>> -> memref<80xi32, #tpu.memory_space<vmem>>
        %dma_start3A_223 = arith.constant 0 : i32
        %dma_start3A_224 = arith.constant 0 : i32
        %dma_start3A_225 = tpu.memref_slice %arg2[%dma_start3A_223, %dma_start3A_224] : memref<20000x128xbf16, #tpu.memory_space<hbm>> -> memref<20000x128xbf16, #tpu.memory_space<hbm>>
        tpu.enqueue_indirect_dma source(%dma_start3A_225 : memref<20000x128xbf16, #tpu.memory_space<hbm>>) target(%arg11 : memref<80x128xbf16, #tpu.memory_space<vmem>>) offsets(%dma_start3A_222 : memref<80xi32, #tpu.memory_space<vmem>>) semaphore(%arg16 : memref<!tpu.dma_semaphore, #tpu.memory_space<semaphore_mem>>)
      } else {
      }
      %mul3A_106 = arith.constant 5 : i32
      %mul3A_107 = arith.muli %scan3A_81, %mul3A_106 : i32
      %add3A_108 = arith.constant 1 : i32
      %add3A_109 = arith.addi %mul3A_107, %add3A_108 : i32
      %mul3A_110 = arith.constant 80 : i32
      %mul3A_111 = arith.muli %add3A_109, %mul3A_110 : i32
      %dma_wait3A_112 = tpu.memref_slice %arg6[%mul3A_111] : memref<10000xi32, #tpu.memory_space<vmem>> -> memref<80xi32, #tpu.memory_space<vmem>>
      %dma_wait3A_113 = arith.constant 0 : i32
      %dma_wait3A_114 = arith.constant 0 : i32
      %dma_wait3A_115 = tpu.memref_slice %arg2[%dma_wait3A_113, %dma_wait3A_114] : memref<20000x128xbf16, #tpu.memory_space<hbm>> -> memref<20000x128xbf16, #tpu.memory_space<hbm>>
      tpu.wait_indirect_dma semaphore(%arg14 : memref<!tpu.dma_semaphore, #tpu.memory_space<semaphore_mem>>) src(%dma_wait3A_115 : memref<20000x128xbf16, #tpu.memory_space<hbm>>) dst(%arg9 : memref<80x128xbf16, #tpu.memory_space<vmem>>)
      %mul3A_116 = arith.constant 80 : i32
      %mul3A_117 = arith.muli %add3A_109, %mul3A_116 : i32
      %dma_start3A_118 = tpu.memref_slice %arg7[%mul3A_117] : memref<10000xi32, #tpu.memory_space<vmem>> -> memref<80xi32, #tpu.memory_space<vmem>>
      %dma_start3A_119 = arith.constant 0 : i32
      %dma_start3A_120 = arith.constant 0 : i32
      %dma_start3A_121 = tpu.memref_slice %arg23[%dma_start3A_119, %dma_start3A_120] : memref<10240x128xbf16, #tpu.memory_space<vmem_shared>> -> memref<10240x128xbf16, #tpu.memory_space<vmem_shared>>
      tpu.enqueue_indirect_dma source(%arg9 : memref<80x128xbf16, #tpu.memory_space<vmem>>) target(%dma_start3A_121 : memref<10240x128xbf16, #tpu.memory_space<vmem_shared>>) offsets(%dma_start3A_118 : memref<80xi32, #tpu.memory_space<vmem>>) semaphore(%arg19 : memref<!tpu.dma_semaphore, #tpu.memory_space<semaphore_mem>>) {add = true}
      %ge3A_122 = arith.constant 2 : i32
      %ge3A_123 = arith.cmpi sge, %add3A_109, %ge3A_122 : i32
      %convert_element_type3A_124 = arith.extui %ge3A_123 : i1 to i32
      %cond3A_125 = arith.constant 0 : i32
      %cond3A_126 = arith.cmpi ne, %convert_element_type3A_124, %cond3A_125 : i32
      scf.if %cond3A_126 {
        %sub3A = arith.constant 2 : i32
        %sub3A_218 = arith.subi %add3A_109, %sub3A : i32
        %mul3A_219 = arith.constant 80 : i32
        %mul3A_220 = arith.muli %sub3A_218, %mul3A_219 : i32
        %dma_wait3A_221 = tpu.memref_slice %arg7[%mul3A_220] : memref<10000xi32, #tpu.memory_space<vmem>> -> memref<80xi32, #tpu.memory_space<vmem>>
        %dma_wait3A_222 = arith.constant 0 : i32
        %dma_wait3A_223 = arith.constant 0 : i32
        %dma_wait3A_224 = tpu.memref_slice %arg23[%dma_wait3A_222, %dma_wait3A_223] : memref<10240x128xbf16, #tpu.memory_space<vmem_shared>> -> memref<10240x128xbf16, #tpu.memory_space<vmem_shared>>
        tpu.wait_indirect_dma semaphore(%arg22 : memref<!tpu.dma_semaphore, #tpu.memory_space<semaphore_mem>>) src(%arg12 : memref<80x128xbf16, #tpu.memory_space<vmem>>) dst(%dma_wait3A_224 : memref<10240x128xbf16, #tpu.memory_space<vmem_shared>>)
      } else {
      }
      %add3A_127 = arith.constant 3 : i32
      %add3A_128 = arith.addi %add3A_109, %add3A_127 : i32
      %lt3A_129 = arith.constant 125 : i32
      %lt3A_130 = arith.cmpi slt, %add3A_128, %lt3A_129 : i32
      %convert_element_type3A_131 = arith.extui %lt3A_130 : i1 to i32
      %cond3A_132 = arith.constant 0 : i32
      %cond3A_133 = arith.cmpi ne, %convert_element_type3A_131, %cond3A_132 : i32
      scf.if %cond3A_133 {
        %add3A_218 = arith.constant 3 : i32
        %add3A_219 = arith.addi %add3A_109, %add3A_218 : i32
        %mul3A_220 = arith.constant 80 : i32
        %mul3A_221 = arith.muli %add3A_219, %mul3A_220 : i32
        %dma_start3A_222 = tpu.memref_slice %arg6[%mul3A_221] : memref<10000xi32, #tpu.memory_space<vmem>> -> memref<80xi32, #tpu.memory_space<vmem>>
        %dma_start3A_223 = arith.constant 0 : i32
        %dma_start3A_224 = arith.constant 0 : i32
        %dma_start3A_225 = tpu.memref_slice %arg2[%dma_start3A_223, %dma_start3A_224] : memref<20000x128xbf16, #tpu.memory_space<hbm>> -> memref<20000x128xbf16, #tpu.memory_space<hbm>>
        tpu.enqueue_indirect_dma source(%dma_start3A_225 : memref<20000x128xbf16, #tpu.memory_space<hbm>>) target(%arg12 : memref<80x128xbf16, #tpu.memory_space<vmem>>) offsets(%dma_start3A_222 : memref<80xi32, #tpu.memory_space<vmem>>) semaphore(%arg17 : memref<!tpu.dma_semaphore, #tpu.memory_space<semaphore_mem>>)
      } else {
      }
      %mul3A_134 = arith.constant 5 : i32
      %mul3A_135 = arith.muli %scan3A_81, %mul3A_134 : i32
      %add3A_136 = arith.constant 2 : i32
      %add3A_137 = arith.addi %mul3A_135, %add3A_136 : i32
      %mul3A_138 = arith.constant 80 : i32
      %mul3A_139 = arith.muli %add3A_137, %mul3A_138 : i32
      %dma_wait3A_140 = tpu.memref_slice %arg6[%mul3A_139] : memref<10000xi32, #tpu.memory_space<vmem>> -> memref<80xi32, #tpu.memory_space<vmem>>
      %dma_wait3A_141 = arith.constant 0 : i32
      %dma_wait3A_142 = arith.constant 0 : i32
      %dma_wait3A_143 = tpu.memref_slice %arg2[%dma_wait3A_141, %dma_wait3A_142] : memref<20000x128xbf16, #tpu.memory_space<hbm>> -> memref<20000x128xbf16, #tpu.memory_space<hbm>>
      tpu.wait_indirect_dma semaphore(%arg15 : memref<!tpu.dma_semaphore, #tpu.memory_space<semaphore_mem>>) src(%dma_wait3A_143 : memref<20000x128xbf16, #tpu.memory_space<hbm>>) dst(%arg10 : memref<80x128xbf16, #tpu.memory_space<vmem>>)
      %mul3A_144 = arith.constant 80 : i32
      %mul3A_145 = arith.muli %add3A_137, %mul3A_144 : i32
      %dma_start3A_146 = tpu.memref_slice %arg7[%mul3A_145] : memref<10000xi32, #tpu.memory_space<vmem>> -> memref<80xi32, #tpu.memory_space<vmem>>
      %dma_start3A_147 = arith.constant 0 : i32
      %dma_start3A_148 = arith.constant 0 : i32
      %dma_start3A_149 = tpu.memref_slice %arg23[%dma_start3A_147, %dma_start3A_148] : memref<10240x128xbf16, #tpu.memory_space<vmem_shared>> -> memref<10240x128xbf16, #tpu.memory_space<vmem_shared>>
      tpu.enqueue_indirect_dma source(%arg10 : memref<80x128xbf16, #tpu.memory_space<vmem>>) target(%dma_start3A_149 : memref<10240x128xbf16, #tpu.memory_space<vmem_shared>>) offsets(%dma_start3A_146 : memref<80xi32, #tpu.memory_space<vmem>>) semaphore(%arg20 : memref<!tpu.dma_semaphore, #tpu.memory_space<semaphore_mem>>) {add = true}
      %ge3A_150 = arith.constant 2 : i32
      %ge3A_151 = arith.cmpi sge, %add3A_137, %ge3A_150 : i32
      %convert_element_type3A_152 = arith.extui %ge3A_151 : i1 to i32
      %cond3A_153 = arith.constant 0 : i32
      %cond3A_154 = arith.cmpi ne, %convert_element_type3A_152, %cond3A_153 : i32
      scf.if %cond3A_154 {
        %sub3A = arith.constant 2 : i32
        %sub3A_218 = arith.subi %add3A_137, %sub3A : i32
        %mul3A_219 = arith.constant 80 : i32
        %mul3A_220 = arith.muli %sub3A_218, %mul3A_219 : i32
        %dma_wait3A_221 = tpu.memref_slice %arg7[%mul3A_220] : memref<10000xi32, #tpu.memory_space<vmem>> -> memref<80xi32, #tpu.memory_space<vmem>>
        %dma_wait3A_222 = arith.constant 0 : i32
        %dma_wait3A_223 = arith.constant 0 : i32
        %dma_wait3A_224 = tpu.memref_slice %arg23[%dma_wait3A_222, %dma_wait3A_223] : memref<10240x128xbf16, #tpu.memory_space<vmem_shared>> -> memref<10240x128xbf16, #tpu.memory_space<vmem_shared>>
        tpu.wait_indirect_dma semaphore(%arg18 : memref<!tpu.dma_semaphore, #tpu.memory_space<semaphore_mem>>) src(%arg8 : memref<80x128xbf16, #tpu.memory_space<vmem>>) dst(%dma_wait3A_224 : memref<10240x128xbf16, #tpu.memory_space<vmem_shared>>)
      } else {
      }
      %add3A_155 = arith.constant 3 : i32
      %add3A_156 = arith.addi %add3A_137, %add3A_155 : i32
      %lt3A_157 = arith.constant 125 : i32
      %lt3A_158 = arith.cmpi slt, %add3A_156, %lt3A_157 : i32
      %convert_element_type3A_159 = arith.extui %lt3A_158 : i1 to i32
      %cond3A_160 = arith.constant 0 : i32
      %cond3A_161 = arith.cmpi ne, %convert_element_type3A_159, %cond3A_160 : i32
      scf.if %cond3A_161 {
        %add3A_218 = arith.constant 3 : i32
        %add3A_219 = arith.addi %add3A_137, %add3A_218 : i32
        %mul3A_220 = arith.constant 80 : i32
        %mul3A_221 = arith.muli %add3A_219, %mul3A_220 : i32
        %dma_start3A_222 = tpu.memref_slice %arg6[%mul3A_221] : memref<10000xi32, #tpu.memory_space<vmem>> -> memref<80xi32, #tpu.memory_space<vmem>>
        %dma_start3A_223 = arith.constant 0 : i32
        %dma_start3A_224 = arith.constant 0 : i32
        %dma_start3A_225 = tpu.memref_slice %arg2[%dma_start3A_223, %dma_start3A_224] : memref<20000x128xbf16, #tpu.memory_space<hbm>> -> memref<20000x128xbf16, #tpu.memory_space<hbm>>
        tpu.enqueue_indirect_dma source(%dma_start3A_225 : memref<20000x128xbf16, #tpu.memory_space<hbm>>) target(%arg8 : memref<80x128xbf16, #tpu.memory_space<vmem>>) offsets(%dma_start3A_222 : memref<80xi32, #tpu.memory_space<vmem>>) semaphore(%arg13 : memref<!tpu.dma_semaphore, #tpu.memory_space<semaphore_mem>>)
      } else {
      }
      %mul3A_162 = arith.constant 5 : i32
      %mul3A_163 = arith.muli %scan3A_81, %mul3A_162 : i32
      %add3A_164 = arith.constant 3 : i32
      %add3A_165 = arith.addi %mul3A_163, %add3A_164 : i32
      %mul3A_166 = arith.constant 80 : i32
      %mul3A_167 = arith.muli %add3A_165, %mul3A_166 : i32
      %dma_wait3A_168 = tpu.memref_slice %arg6[%mul3A_167] : memref<10000xi32, #tpu.memory_space<vmem>> -> memref<80xi32, #tpu.memory_space<vmem>>
      %dma_wait3A_169 = arith.constant 0 : i32
      %dma_wait3A_170 = arith.constant 0 : i32
      %dma_wait3A_171 = tpu.memref_slice %arg2[%dma_wait3A_169, %dma_wait3A_170] : memref<20000x128xbf16, #tpu.memory_space<hbm>> -> memref<20000x128xbf16, #tpu.memory_space<hbm>>
      tpu.wait_indirect_dma semaphore(%arg16 : memref<!tpu.dma_semaphore, #tpu.memory_space<semaphore_mem>>) src(%dma_wait3A_171 : memref<20000x128xbf16, #tpu.memory_space<hbm>>) dst(%arg11 : memref<80x128xbf16, #tpu.memory_space<vmem>>)
      %mul3A_172 = arith.constant 80 : i32
      %mul3A_173 = arith.muli %add3A_165, %mul3A_172 : i32
      %dma_start3A_174 = tpu.memref_slice %arg7[%mul3A_173] : memref<10000xi32, #tpu.memory_space<vmem>> -> memref<80xi32, #tpu.memory_space<vmem>>
      %dma_start3A_175 = arith.constant 0 : i32
      %dma_start3A_176 = arith.constant 0 : i32
      %dma_start3A_177 = tpu.memref_slice %arg23[%dma_start3A_175, %dma_start3A_176] : memref<10240x128xbf16, #tpu.memory_space<vmem_shared>> -> memref<10240x128xbf16, #tpu.memory_space<vmem_shared>>
      tpu.enqueue_indirect_dma source(%arg11 : memref<80x128xbf16, #tpu.memory_space<vmem>>) target(%dma_start3A_177 : memref<10240x128xbf16, #tpu.memory_space<vmem_shared>>) offsets(%dma_start3A_174 : memref<80xi32, #tpu.memory_space<vmem>>) semaphore(%arg21 : memref<!tpu.dma_semaphore, #tpu.memory_space<semaphore_mem>>) {add = true}
      %ge3A_178 = arith.constant 2 : i32
      %ge3A_179 = arith.cmpi sge, %add3A_165, %ge3A_178 : i32
      %convert_element_type3A_180 = arith.extui %ge3A_179 : i1 to i32
      %cond3A_181 = arith.constant 0 : i32
      %cond3A_182 = arith.cmpi ne, %convert_element_type3A_180, %cond3A_181 : i32
      scf.if %cond3A_182 {
        %sub3A = arith.constant 2 : i32
        %sub3A_218 = arith.subi %add3A_165, %sub3A : i32
        %mul3A_219 = arith.constant 80 : i32
        %mul3A_220 = arith.muli %sub3A_218, %mul3A_219 : i32
        %dma_wait3A_221 = tpu.memref_slice %arg7[%mul3A_220] : memref<10000xi32, #tpu.memory_space<vmem>> -> memref<80xi32, #tpu.memory_space<vmem>>
        %dma_wait3A_222 = arith.constant 0 : i32
        %dma_wait3A_223 = arith.constant 0 : i32
        %dma_wait3A_224 = tpu.memref_slice %arg23[%dma_wait3A_222, %dma_wait3A_223] : memref<10240x128xbf16, #tpu.memory_space<vmem_shared>> -> memref<10240x128xbf16, #tpu.memory_space<vmem_shared>>
        tpu.wait_indirect_dma semaphore(%arg19 : memref<!tpu.dma_semaphore, #tpu.memory_space<semaphore_mem>>) src(%arg9 : memref<80x128xbf16, #tpu.memory_space<vmem>>) dst(%dma_wait3A_224 : memref<10240x128xbf16, #tpu.memory_space<vmem_shared>>)
      } else {
      }
      %add3A_183 = arith.constant 3 : i32
      %add3A_184 = arith.addi %add3A_165, %add3A_183 : i32
      %lt3A_185 = arith.constant 125 : i32
      %lt3A_186 = arith.cmpi slt, %add3A_184, %lt3A_185 : i32
      %convert_element_type3A_187 = arith.extui %lt3A_186 : i1 to i32
      %cond3A_188 = arith.constant 0 : i32
      %cond3A_189 = arith.cmpi ne, %convert_element_type3A_187, %cond3A_188 : i32
      scf.if %cond3A_189 {
        %add3A_218 = arith.constant 3 : i32
        %add3A_219 = arith.addi %add3A_165, %add3A_218 : i32
        %mul3A_220 = arith.constant 80 : i32
        %mul3A_221 = arith.muli %add3A_219, %mul3A_220 : i32
        %dma_start3A_222 = tpu.memref_slice %arg6[%mul3A_221] : memref<10000xi32, #tpu.memory_space<vmem>> -> memref<80xi32, #tpu.memory_space<vmem>>
        %dma_start3A_223 = arith.constant 0 : i32
        %dma_start3A_224 = arith.constant 0 : i32
        %dma_start3A_225 = tpu.memref_slice %arg2[%dma_start3A_223, %dma_start3A_224] : memref<20000x128xbf16, #tpu.memory_space<hbm>> -> memref<20000x128xbf16, #tpu.memory_space<hbm>>
        tpu.enqueue_indirect_dma source(%dma_start3A_225 : memref<20000x128xbf16, #tpu.memory_space<hbm>>) target(%arg9 : memref<80x128xbf16, #tpu.memory_space<vmem>>) offsets(%dma_start3A_222 : memref<80xi32, #tpu.memory_space<vmem>>) semaphore(%arg14 : memref<!tpu.dma_semaphore, #tpu.memory_space<semaphore_mem>>)
      } else {
      }
      %mul3A_190 = arith.constant 5 : i32
      %mul3A_191 = arith.muli %scan3A_81, %mul3A_190 : i32
      %add3A_192 = arith.constant 4 : i32
      %add3A_193 = arith.addi %mul3A_191, %add3A_192 : i32
      %mul3A_194 = arith.constant 80 : i32
      %mul3A_195 = arith.muli %add3A_193, %mul3A_194 : i32
      %dma_wait3A_196 = tpu.memref_slice %arg6[%mul3A_195] : memref<10000xi32, #tpu.memory_space<vmem>> -> memref<80xi32, #tpu.memory_space<vmem>>
      %dma_wait3A_197 = arith.constant 0 : i32
      %dma_wait3A_198 = arith.constant 0 : i32
      %dma_wait3A_199 = tpu.memref_slice %arg2[%dma_wait3A_197, %dma_wait3A_198] : memref<20000x128xbf16, #tpu.memory_space<hbm>> -> memref<20000x128xbf16, #tpu.memory_space<hbm>>
      tpu.wait_indirect_dma semaphore(%arg17 : memref<!tpu.dma_semaphore, #tpu.memory_space<semaphore_mem>>) src(%dma_wait3A_199 : memref<20000x128xbf16, #tpu.memory_space<hbm>>) dst(%arg12 : memref<80x128xbf16, #tpu.memory_space<vmem>>)
      %mul3A_200 = arith.constant 80 : i32
      %mul3A_201 = arith.muli %add3A_193, %mul3A_200 : i32
      %dma_start3A_202 = tpu.memref_slice %arg7[%mul3A_201] : memref<10000xi32, #tpu.memory_space<vmem>> -> memref<80xi32, #tpu.memory_space<vmem>>
      %dma_start3A_203 = arith.constant 0 : i32
      %dma_start3A_204 = arith.constant 0 : i32
      %dma_start3A_205 = tpu.memref_slice %arg23[%dma_start3A_203, %dma_start3A_204] : memref<10240x128xbf16, #tpu.memory_space<vmem_shared>> -> memref<10240x128xbf16, #tpu.memory_space<vmem_shared>>
      tpu.enqueue_indirect_dma source(%arg12 : memref<80x128xbf16, #tpu.memory_space<vmem>>) target(%dma_start3A_205 : memref<10240x128xbf16, #tpu.memory_space<vmem_shared>>) offsets(%dma_start3A_202 : memref<80xi32, #tpu.memory_space<vmem>>) semaphore(%arg22 : memref<!tpu.dma_semaphore, #tpu.memory_space<semaphore_mem>>) {add = true}
      %ge3A_206 = arith.constant 2 : i32
      %ge3A_207 = arith.cmpi sge, %add3A_193, %ge3A_206 : i32
      %convert_element_type3A_208 = arith.extui %ge3A_207 : i1 to i32
      %cond3A_209 = arith.constant 0 : i32
      %cond3A_210 = arith.cmpi ne, %convert_element_type3A_208, %cond3A_209 : i32
      scf.if %cond3A_210 {
        %sub3A = arith.constant 2 : i32
        %sub3A_218 = arith.subi %add3A_193, %sub3A : i32
        %mul3A_219 = arith.constant 80 : i32
        %mul3A_220 = arith.muli %sub3A_218, %mul3A_219 : i32
        %dma_wait3A_221 = tpu.memref_slice %arg7[%mul3A_220] : memref<10000xi32, #tpu.memory_space<vmem>> -> memref<80xi32, #tpu.memory_space<vmem>>
        %dma_wait3A_222 = arith.constant 0 : i32
        %dma_wait3A_223 = arith.constant 0 : i32
        %dma_wait3A_224 = tpu.memref_slice %arg23[%dma_wait3A_222, %dma_wait3A_223] : memref<10240x128xbf16, #tpu.memory_space<vmem_shared>> -> memref<10240x128xbf16, #tpu.memory_space<vmem_shared>>
        tpu.wait_indirect_dma semaphore(%arg20 : memref<!tpu.dma_semaphore, #tpu.memory_space<semaphore_mem>>) src(%arg10 : memref<80x128xbf16, #tpu.memory_space<vmem>>) dst(%dma_wait3A_224 : memref<10240x128xbf16, #tpu.memory_space<vmem_shared>>)
      } else {
      }
      %add3A_211 = arith.constant 3 : i32
      %add3A_212 = arith.addi %add3A_193, %add3A_211 : i32
      %lt3A_213 = arith.constant 125 : i32
      %lt3A_214 = arith.cmpi slt, %add3A_212, %lt3A_213 : i32
      %convert_element_type3A_215 = arith.extui %lt3A_214 : i1 to i32
      %cond3A_216 = arith.constant 0 : i32
      %cond3A_217 = arith.cmpi ne, %convert_element_type3A_215, %cond3A_216 : i32
      scf.if %cond3A_217 {
        %add3A_218 = arith.constant 3 : i32
        %add3A_219 = arith.addi %add3A_193, %add3A_218 : i32
        %mul3A_220 = arith.constant 80 : i32
        %mul3A_221 = arith.muli %add3A_219, %mul3A_220 : i32
        %dma_start3A_222 = tpu.memref_slice %arg6[%mul3A_221] : memref<10000xi32, #tpu.memory_space<vmem>> -> memref<80xi32, #tpu.memory_space<vmem>>
        %dma_start3A_223 = arith.constant 0 : i32
        %dma_start3A_224 = arith.constant 0 : i32
        %dma_start3A_225 = tpu.memref_slice %arg2[%dma_start3A_223, %dma_start3A_224] : memref<20000x128xbf16, #tpu.memory_space<hbm>> -> memref<20000x128xbf16, #tpu.memory_space<hbm>>
        tpu.enqueue_indirect_dma source(%dma_start3A_225 : memref<20000x128xbf16, #tpu.memory_space<hbm>>) target(%arg10 : memref<80x128xbf16, #tpu.memory_space<vmem>>) offsets(%dma_start3A_222 : memref<80xi32, #tpu.memory_space<vmem>>) semaphore(%arg15 : memref<!tpu.dma_semaphore, #tpu.memory_space<semaphore_mem>>)
      } else {
      }
    }
    %scan3A_66 = arith.constant 25 : i32
    %dma_wait3A = arith.constant 9840 : i32
    %dma_wait3A_67 = tpu.memref_slice %arg7[%dma_wait3A] : memref<10000xi32, #tpu.memory_space<vmem>> -> memref<80xi32, #tpu.memory_space<vmem>>
    %dma_wait3A_68 = arith.constant 0 : i32
    %dma_wait3A_69 = arith.constant 0 : i32
    %dma_wait3A_70 = tpu.memref_slice %arg23[%dma_wait3A_68, %dma_wait3A_69] : memref<10240x128xbf16, #tpu.memory_space<vmem_shared>> -> memref<10240x128xbf16, #tpu.memory_space<vmem_shared>>
    tpu.wait_indirect_dma semaphore(%arg21 : memref<!tpu.dma_semaphore, #tpu.memory_space<semaphore_mem>>) src(%arg11 : memref<80x128xbf16, #tpu.memory_space<vmem>>) dst(%dma_wait3A_70 : memref<10240x128xbf16, #tpu.memory_space<vmem_shared>>)
    %dma_wait3A_71 = arith.constant 9920 : i32
    %dma_wait3A_72 = tpu.memref_slice %arg7[%dma_wait3A_71] : memref<10000xi32, #tpu.memory_space<vmem>> -> memref<80xi32, #tpu.memory_space<vmem>>
    %dma_wait3A_73 = arith.constant 0 : i32
    %dma_wait3A_74 = arith.constant 0 : i32
    %dma_wait3A_75 = tpu.memref_slice %arg23[%dma_wait3A_73, %dma_wait3A_74] : memref<10240x128xbf16, #tpu.memory_space<vmem_shared>> -> memref<10240x128xbf16, #tpu.memory_space<vmem_shared>>
    tpu.wait_indirect_dma semaphore(%arg22 : memref<!tpu.dma_semaphore, #tpu.memory_space<semaphore_mem>>) src(%arg12 : memref<80x128xbf16, #tpu.memory_space<vmem>>) dst(%dma_wait3A_75 : memref<10240x128xbf16, #tpu.memory_space<vmem_shared>>)
    %barrier3A_76 = arith.constant 0 : index
    tpu.barrier barrier_id(%barrier3A_76)
    %mul3A_77 = arith.constant 640 : i32
    %mul3A_78 = arith.muli %arg1, %mul3A_77 : i32
    %mul3A_79 = arith.constant 640 : i32
    %mul3A_80 = arith.muli %arg1, %mul3A_79 : i32
    "tpu.region"() ({
      %run_scoped3A = tpu.sem_alloc : memref<!tpu.dma_semaphore, #tpu.memory_space<semaphore_mem>>
      %dma_start3A_81 = arith.constant 0 : i32
      %dma_start3A_82 = tpu.memref_slice %arg5[%arg0, %mul3A_80, %dma_start3A_81] : memref<2x10240x128xbf16, #tpu.memory_space<hbm>> -> memref<1x640x128xbf16, #tpu.memory_space<hbm>>
      %dma_start3A_83 = tpu.memref_squeeze %dma_start3A_82 : memref<1x640x128xbf16, #tpu.memory_space<hbm>> -> memref<640x128xbf16, #tpu.memory_space<hbm>>
      %dma_start3A_84 = arith.constant 0 : i32
      %dma_start3A_85 = tpu.memref_slice %arg23[%mul3A_78, %dma_start3A_84] : memref<10240x128xbf16, #tpu.memory_space<vmem_shared>> -> memref<640x128xbf16, #tpu.memory_space<vmem_shared>>
      tpu.enqueue_dma source(%dma_start3A_85 : memref<640x128xbf16, #tpu.memory_space<vmem_shared>>) target(%dma_start3A_83 : memref<640x128xbf16, #tpu.memory_space<hbm>>) target_semaphore(%run_scoped3A : memref<!tpu.dma_semaphore, #tpu.memory_space<semaphore_mem>>)
      %dma_wait3A_86 = arith.constant 0 : i32
      %dma_wait3A_87 = tpu.memref_slice %arg5[%arg0, %mul3A_80, %dma_wait3A_86] : memref<2x10240x128xbf16, #tpu.memory_space<hbm>> -> memref<1x640x128xbf16, #tpu.memory_space<hbm>>
      %dma_wait3A_88 = tpu.memref_squeeze %dma_wait3A_87 : memref<1x640x128xbf16, #tpu.memory_space<hbm>> -> memref<640x128xbf16, #tpu.memory_space<hbm>>
      %dma_wait3A_89 = arith.constant 0 : i32
      %dma_wait3A_90 = tpu.memref_slice %arg23[%mul3A_78, %dma_wait3A_89] : memref<10240x128xbf16, #tpu.memory_space<vmem_shared>> -> memref<640x128xbf16, #tpu.memory_space<vmem_shared>>
      tpu.wait_dma2 semaphore(%run_scoped3A : memref<!tpu.dma_semaphore, #tpu.memory_space<semaphore_mem>>) src(%dma_wait3A_90 : memref<640x128xbf16, #tpu.memory_space<vmem_shared>>) dst(%dma_wait3A_88 : memref<640x128xbf16, #tpu.memory_space<hbm>>)
      tpu.yield
    }) : () -> ()
    return
  }
}

module attributes {stable_mosaic.version = 14 : i64} {
  func.func @_k2_body(%arg0: i32, %arg1: memref<400x256xf32, #tpu.memory_space<vmem>>, %arg2: memref<256x256xf32, #tpu.memory_space<vmem>>, %arg3: memref<2x400x16xf32, #tpu.memory_space<vmem>>, %arg4: memref<2x400x128xbf16, #tpu.memory_space<vmem>>) attributes {dimension_semantics = [#tpu.dimension_semantics<arbitrary>], iteration_bounds = array<i64: 25>, scalar_prefetch = 0 : i64, scratch_operands = 0 : i64, tpu.core_type = #tpu.core_type<tc>, window_params = [{transform_indices = @transform_0, window_bounds = array<i64: 400, 256>}, {pipeline_mode = #tpu.pipeline_mode<synchronous>, transform_indices = @transform_1, window_bounds = array<i64: 256, 256>}, {transform_indices = @transform_2, window_bounds = array<i64: 2, 400, 16>}, {transform_indices = @transform_3, window_bounds = array<i64: 2, 400, 128>}]} {
    %get3A = arith.constant 0 : index
    %get3A_0 = arith.constant 0 : index
    %get3A_1 = vector.load %arg1[%get3A, %get3A_0] : memref<400x256xf32, #tpu.memory_space<vmem>>, vector<400x256xf32>
    %get3A_2 = arith.constant 0 : index
    %get3A_3 = arith.constant 0 : index
    %get3A_4 = vector.load %arg2[%get3A_2, %get3A_3] : memref<256x256xf32, #tpu.memory_space<vmem>>, vector<256x256xf32>
    %dot_general3A = arith.constant dense<0.000000e+00> : vector<400x256xf32>
    %dot_general3A_5 = tpu.matmul %get3A_1, %get3A_4, %dot_general3A {dimension_numbers = #tpu.dot_dimension_numbers<[1], [0], [0], [1], [0, 0, 1, 1], [], []>, transpose_lhs_hint = false} : vector<400x256xf32>, vector<256x256xf32>, vector<400x256xf32> -> vector<400x256xf32>
    %get3A_6 = arith.constant 0 : index
    %get3A_7 = arith.constant 0 : index
    %get3A_8 = arith.constant 0 : index
    %get3A_9 = vector.load %arg3[%get3A_6, %get3A_7, %get3A_8] : memref<2x400x16xf32, #tpu.memory_space<vmem>>, vector<2x400x16xf32>
    %slice3A = vector.extract_strided_slice %get3A_9 {offsets = [0, 0, 0], sizes = [1, 400, 16], strides = [1, 1, 1]} : vector<2x400x16xf32> to vector<1x400x16xf32>
    %squeeze3A = vector.shape_cast %slice3A : vector<1x400x16xf32> to vector<400x16xf32>
    %slice3A_10 = vector.extract_strided_slice %get3A_9 {offsets = [1, 0, 0], sizes = [1, 400, 16], strides = [1, 1, 1]} : vector<2x400x16xf32> to vector<1x400x16xf32>
    %squeeze3A_11 = vector.shape_cast %slice3A_10 : vector<1x400x16xf32> to vector<400x16xf32>
    %add3A = arith.addf %squeeze3A, %squeeze3A_11 : vector<400x16xf32>
    %add3A_12 = arith.constant 1.000000e+00 : f32
    %add3A_13 = vector.broadcast %add3A_12 : f32 to vector<400x16xf32>
    %add3A_14 = arith.addf %add3A, %add3A_13 : vector<400x16xf32>
    %slice3A_15 = vector.extract_strided_slice %add3A_14 {offsets = [0, 0], sizes = [400, 1], strides = [1, 1]} : vector<400x16xf32> to vector<400x1xf32>
    %rsqrt3A = math.rsqrt %slice3A_15 : vector<400x1xf32>
    %slice3A_16 = vector.extract_strided_slice %dot_general3A_5 {offsets = [0, 0], sizes = [400, 128], strides = [1, 1]} : vector<400x256xf32> to vector<400x128xf32>
    %mul3A = vector.broadcast %rsqrt3A : vector<400x1xf32> to vector<400x128xf32>
    %mul3A_17 = arith.mulf %slice3A_16, %mul3A : vector<400x128xf32>
    %convert_element_type3A = arith.truncf %mul3A_17 : vector<400x128xf32> to vector<400x128xbf16>
    %swap3A = arith.constant 0 : index
    %swap3A_18 = arith.constant 0 : index
    %swap3A_19 = arith.constant 0 : index
    %swap3A_20 = vector.load %arg4[%swap3A, %swap3A_18, %swap3A_19] : memref<2x400x128xbf16, #tpu.memory_space<vmem>>, vector<1x400x128xbf16>
    %swap3A_21 = vector.shape_cast %swap3A_20 : vector<1x400x128xbf16> to vector<400x128xbf16>
    %swap3A_22 = vector.shape_cast %convert_element_type3A : vector<400x128xbf16> to vector<1x400x128xbf16>
    tpu.vector_store %arg4[%swap3A, %swap3A_18, %swap3A_19], %swap3A_22 {strides = array<i32>} : memref<2x400x128xbf16, #tpu.memory_space<vmem>>, vector<1x400x128xbf16>,
    %slice3A_23 = vector.extract_strided_slice %dot_general3A_5 {offsets = [0, 128], sizes = [400, 128], strides = [1, 1]} : vector<400x256xf32> to vector<400x128xf32>
    %mul3A_24 = vector.broadcast %rsqrt3A : vector<400x1xf32> to vector<400x128xf32>
    %mul3A_25 = arith.mulf %slice3A_23, %mul3A_24 : vector<400x128xf32>
    %convert_element_type3A_26 = arith.truncf %mul3A_25 : vector<400x128xf32> to vector<400x128xbf16>
    %swap3A_27 = arith.constant 1 : index
    %swap3A_28 = arith.constant 0 : index
    %swap3A_29 = arith.constant 0 : index
    %swap3A_30 = vector.load %arg4[%swap3A_27, %swap3A_28, %swap3A_29] : memref<2x400x128xbf16, #tpu.memory_space<vmem>>, vector<1x400x128xbf16>
    %swap3A_31 = vector.shape_cast %swap3A_30 : vector<1x400x128xbf16> to vector<400x128xbf16>
    %swap3A_32 = vector.shape_cast %convert_element_type3A_26 : vector<400x128xbf16> to vector<1x400x128xbf16>
    tpu.vector_store %arg4[%swap3A_27, %swap3A_28, %swap3A_29], %swap3A_32 {strides = array<i32>} : memref<2x400x128xbf16, #tpu.memory_space<vmem>>, vector<1x400x128xbf16>,
    return
  }
  func.func @transform_0(%arg0: i32) -> (i32, i32) {
    %c0_i32 = arith.constant 0 : i32
    %c0_i32_0 = arith.constant 0 : i32
    return %arg0, %c0_i32 : i32, i32
  }
  func.func @transform_1(%arg0: i32) -> (i32, i32) {
    %c0_i32 = arith.constant 0 : i32
    %c0_i32_0 = arith.constant 0 : i32
    %c0_i32_1 = arith.constant 0 : i32
    return %c0_i32, %c0_i32_0 : i32, i32
  }
  func.func @transform_2(%arg0: i32) -> (i32, i32, i32) {
    %c0_i32 = arith.constant 0 : i32
    %c0_i32_0 = arith.constant 0 : i32
    %c0_i32_1 = arith.constant 0 : i32
    return %c0_i32, %arg0, %c0_i32_0 : i32, i32, i32
  }
  func.func @transform_3(%arg0: i32) -> (i32, i32, i32) {
    %c0_i32 = arith.constant 0 : i32
    %c0_i32_0 = arith.constant 0 : i32
    %c0_i32_1 = arith.constant 0 : i32
    return %c0_i32, %arg0, %c0_i32_0 : i32, i32, i32
  }
}

module attributes {stable_mosaic.version = 14 : i64} {
  func.func @_d1_body(%arg0: i32, %arg1: memref<2x400x128xbf16, #tpu.memory_space<vmem>>, %arg2: memref<2x400x128xbf16, #tpu.memory_space<vmem>>, %arg3: memref<2x400x16xf32, #tpu.memory_space<vmem>>, %arg4: memref<400x256xbf16, #tpu.memory_space<vmem>>, %arg5: memref<2x256xf32, #tpu.memory_space<vmem>>) attributes {dimension_semantics = [#tpu.dimension_semantics<arbitrary>], iteration_bounds = array<i64: 25>, scalar_prefetch = 0 : i64, scratch_operands = 0 : i64, tpu.core_type = #tpu.core_type<tc>, window_params = [{transform_indices = @transform_0, window_bounds = array<i64: 2, 400, 128>}, {transform_indices = @transform_1, window_bounds = array<i64: 2, 400, 128>}, {transform_indices = @transform_2, window_bounds = array<i64: 2, 400, 16>}, {transform_indices = @transform_3, window_bounds = array<i64: 400, 256>}, {pipeline_mode = #tpu.pipeline_mode<synchronous>, transform_indices = @transform_4, window_bounds = array<i64: 2, 256>}]} {
    %get3A = arith.constant 0 : index
    %get3A_0 = arith.constant 0 : index
    %get3A_1 = arith.constant 0 : index
    %get3A_2 = vector.load %arg3[%get3A, %get3A_0, %get3A_1] : memref<2x400x16xf32, #tpu.memory_space<vmem>>, vector<2x400x16xf32>
    %slice3A = vector.extract_strided_slice %get3A_2 {offsets = [0, 0, 0], sizes = [1, 400, 16], strides = [1, 1, 1]} : vector<2x400x16xf32> to vector<1x400x16xf32>
    %squeeze3A = vector.shape_cast %slice3A : vector<1x400x16xf32> to vector<400x16xf32>
    %slice3A_3 = vector.extract_strided_slice %get3A_2 {offsets = [1, 0, 0], sizes = [1, 400, 16], strides = [1, 1, 1]} : vector<2x400x16xf32> to vector<1x400x16xf32>
    %squeeze3A_4 = vector.shape_cast %slice3A_3 : vector<1x400x16xf32> to vector<400x16xf32>
    %add3A = arith.addf %squeeze3A, %squeeze3A_4 : vector<400x16xf32>
    %add3A_5 = arith.constant 1.000000e+00 : f32
    %add3A_6 = vector.broadcast %add3A_5 : f32 to vector<400x16xf32>
    %add3A_7 = arith.addf %add3A, %add3A_6 : vector<400x16xf32>
    %slice3A_8 = vector.extract_strided_slice %add3A_7 {offsets = [0, 0], sizes = [400, 1], strides = [1, 1]} : vector<400x16xf32> to vector<400x1xf32>
    %rsqrt3A = math.rsqrt %slice3A_8 : vector<400x1xf32>
    %get3A_9 = arith.constant 0 : index
    %get3A_10 = arith.constant 0 : index
    %get3A_11 = arith.constant 0 : index
    %get3A_12 = vector.load %arg1[%get3A_9, %get3A_10, %get3A_11] : memref<2x400x128xbf16, #tpu.memory_space<vmem>>, vector<2x400x128xbf16>
    %convert_element_type3A = arith.extf %get3A_12 : vector<2x400x128xbf16> to vector<2x400x128xf32>
    %get3A_13 = arith.constant 0 : index
    %get3A_14 = arith.constant 0 : index
    %get3A_15 = arith.constant 0 : index
    %get3A_16 = vector.load %arg2[%get3A_13, %get3A_14, %get3A_15] : memref<2x400x128xbf16, #tpu.memory_space<vmem>>, vector<2x400x128xbf16>
    %convert_element_type3A_17 = arith.extf %get3A_16 : vector<2x400x128xbf16> to vector<2x400x128xf32>
    %slice3A_18 = vector.extract_strided_slice %convert_element_type3A {offsets = [0, 0, 0], sizes = [1, 400, 128], strides = [1, 1, 1]} : vector<2x400x128xf32> to vector<1x400x128xf32>
    %squeeze3A_19 = vector.shape_cast %slice3A_18 : vector<1x400x128xf32> to vector<400x128xf32>
    %slice3A_20 = vector.extract_strided_slice %convert_element_type3A_17 {offsets = [0, 0, 0], sizes = [1, 400, 128], strides = [1, 1, 1]} : vector<2x400x128xf32> to vector<1x400x128xf32>
    %squeeze3A_21 = vector.shape_cast %slice3A_20 : vector<1x400x128xf32> to vector<400x128xf32>
    %add3A_22 = arith.addf %squeeze3A_19, %squeeze3A_21 : vector<400x128xf32>
    %slice3A_23 = vector.extract_strided_slice %convert_element_type3A {offsets = [1, 0, 0], sizes = [1, 400, 128], strides = [1, 1, 1]} : vector<2x400x128xf32> to vector<1x400x128xf32>
    %squeeze3A_24 = vector.shape_cast %slice3A_23 : vector<1x400x128xf32> to vector<400x128xf32>
    %slice3A_25 = vector.extract_strided_slice %convert_element_type3A_17 {offsets = [1, 0, 0], sizes = [1, 400, 128], strides = [1, 1, 1]} : vector<2x400x128xf32> to vector<1x400x128xf32>
    %squeeze3A_26 = vector.shape_cast %slice3A_25 : vector<1x400x128xf32> to vector<400x128xf32>
    %add3A_27 = arith.addf %squeeze3A_24, %squeeze3A_26 : vector<400x128xf32>
    %concatenate3A = tpu.concatenate %add3A_22, %add3A_27 in 1 : vector<400x128xf32>, vector<400x128xf32> -> vector<400x256xf32>
    %mul3A = vector.broadcast %rsqrt3A : vector<400x1xf32> to vector<400x256xf32>
    %mul3A_28 = arith.mulf %concatenate3A, %mul3A : vector<400x256xf32>
    %convert_element_type3A_29 = arith.truncf %mul3A_28 : vector<400x256xf32> to vector<400x256xbf16>
    %swap3A = arith.constant 0 : index
    %swap3A_30 = arith.constant 0 : index
    %swap3A_31 = vector.load %arg4[%swap3A, %swap3A_30] : memref<400x256xbf16, #tpu.memory_space<vmem>>, vector<400x256xbf16>
    tpu.vector_store %arg4[%swap3A, %swap3A_30], %convert_element_type3A_29 {strides = array<i32>} : memref<400x256xbf16, #tpu.memory_space<vmem>>, vector<400x256xbf16>,
    %eq3A = arith.constant 0 : i32
    %eq3A_32 = arith.cmpi eq, %arg0, %eq3A : i32
    %convert_element_type3A_33 = arith.extui %eq3A_32 : i1 to i32
    %cond3A = arith.constant 0 : i32
    %cond3A_34 = arith.cmpi ne, %convert_element_type3A_33, %cond3A : i32
    scf.if %cond3A_34 {
      %broadcast_in_dim3A = arith.constant 0.000000e+00 : f32
      %broadcast_in_dim3A_48 = vector.broadcast %broadcast_in_dim3A : f32 to vector<2x256xf32>
      %swap3A_49 = arith.constant 0 : index
      %swap3A_50 = arith.constant 0 : index
      %swap3A_51 = vector.load %arg5[%swap3A_49, %swap3A_50] : memref<2x256xf32, #tpu.memory_space<vmem>>, vector<2x256xf32>
      tpu.vector_store %arg5[%swap3A_49, %swap3A_50], %broadcast_in_dim3A_48 {strides = array<i32>} : memref<2x256xf32, #tpu.memory_space<vmem>>, vector<2x256xf32>,
    } else {
    }
    %get3A_35 = arith.constant 0 : index
    %get3A_36 = arith.constant 0 : index
    %get3A_37 = vector.load %arg5[%get3A_35, %get3A_36] : memref<2x256xf32, #tpu.memory_space<vmem>>, vector<2x256xf32>
    %reduce_sum3A = arith.constant dense<0.000000e+00> : vector<256xf32>
    %reduce_sum3A_38 = vector.multi_reduction <add>, %mul3A_28, %reduce_sum3A [0] : vector<400x256xf32> to vector<256xf32>
    %mul3A_39 = arith.mulf %mul3A_28, %mul3A_28 : vector<400x256xf32>
    %reduce_sum3A_40 = arith.constant dense<0.000000e+00> : vector<256xf32>
    %reduce_sum3A_41 = vector.multi_reduction <add>, %mul3A_39, %reduce_sum3A_40 [0] : vector<400x256xf32> to vector<256xf32>
    %stack3A = vector.shape_cast %reduce_sum3A_38 : vector<256xf32> to vector<1x256xf32>
    %stack3A_42 = vector.shape_cast %reduce_sum3A_41 : vector<256xf32> to vector<1x256xf32>
    %stack3A_43 = tpu.concatenate %stack3A, %stack3A_42 in 0 : vector<1x256xf32>, vector<1x256xf32> -> vector<2x256xf32>
    %add3A_44 = arith.addf %get3A_37, %stack3A_43 : vector<2x256xf32>
    %swap3A_45 = arith.constant 0 : index
    %swap3A_46 = arith.constant 0 : index
    %swap3A_47 = vector.load %arg5[%swap3A_45, %swap3A_46] : memref<2x256xf32, #tpu.memory_space<vmem>>, vector<2x256xf32>
    tpu.vector_store %arg5[%swap3A_45, %swap3A_46], %add3A_44 {strides = array<i32>} : memref<2x256xf32, #tpu.memory_space<vmem>>, vector<2x256xf32>,
    return
  }
  func.func @transform_0(%arg0: i32) -> (i32, i32, i32) {
    %c0_i32 = arith.constant 0 : i32
    %c0_i32_0 = arith.constant 0 : i32
    %c0_i32_1 = arith.constant 0 : i32
    return %c0_i32, %arg0, %c0_i32_0 : i32, i32, i32
  }
  func.func @transform_1(%arg0: i32) -> (i32, i32, i32) {
    %c0_i32 = arith.constant 0 : i32
    %c0_i32_0 = arith.constant 0 : i32
    %c0_i32_1 = arith.constant 0 : i32
    return %c0_i32, %arg0, %c0_i32_0 : i32, i32, i32
  }
  func.func @transform_2(%arg0: i32) -> (i32, i32, i32) {
    %c0_i32 = arith.constant 0 : i32
    %c0_i32_0 = arith.constant 0 : i32
    %c0_i32_1 = arith.constant 0 : i32
    return %c0_i32, %arg0, %c0_i32_0 : i32, i32, i32
  }
  func.func @transform_3(%arg0: i32) -> (i32, i32) {
    %c0_i32 = arith.constant 0 : i32
    %c0_i32_0 = arith.constant 0 : i32
    return %arg0, %c0_i32 : i32, i32
  }
  func.func @transform_4(%arg0: i32) -> (i32, i32) {
    %c0_i32 = arith.constant 0 : i32
    %c0_i32_0 = arith.constant 0 : i32
    %c0_i32_1 = arith.constant 0 : i32
    return %c0_i32, %c0_i32_0 : i32, i32
  }
}

module attributes {stable_mosaic.version = 14 : i64} {
  func.func @_d2_body(%arg0: i32, %arg1: memref<400x256xbf16, #tpu.memory_space<vmem>>, %arg2: memref<2x256xf32, #tpu.memory_space<vmem>>, %arg3: memref<1x256xf32, #tpu.memory_space<vmem>>, %arg4: memref<1x256xf32, #tpu.memory_space<vmem>>, %arg5: memref<400x256xf32, #tpu.memory_space<vmem>>) attributes {dimension_semantics = [#tpu.dimension_semantics<arbitrary>], iteration_bounds = array<i64: 25>, scalar_prefetch = 0 : i64, scratch_operands = 0 : i64, tpu.core_type = #tpu.core_type<tc>, window_params = [{transform_indices = @transform_0, window_bounds = array<i64: 400, 256>}, {pipeline_mode = #tpu.pipeline_mode<synchronous>, transform_indices = @transform_1, window_bounds = array<i64: 2, 256>}, {pipeline_mode = #tpu.pipeline_mode<synchronous>, transform_indices = @transform_2, window_bounds = array<i64: 1, 256>}, {pipeline_mode = #tpu.pipeline_mode<synchronous>, transform_indices = @transform_3, window_bounds = array<i64: 1, 256>}, {transform_indices = @transform_4, window_bounds = array<i64: 400, 256>}]} {
    %get3A = arith.constant 0 : index
    %get3A_0 = arith.constant 0 : index
    %get3A_1 = vector.load %arg1[%get3A, %get3A_0] : memref<400x256xbf16, #tpu.memory_space<vmem>>, vector<400x256xbf16>
    %convert_element_type3A = arith.extf %get3A_1 : vector<400x256xbf16> to vector<400x256xf32>
    %get3A_2 = arith.constant 0 : index
    %get3A_3 = arith.constant 0 : index
    %get3A_4 = vector.load %arg2[%get3A_2, %get3A_3] : memref<2x256xf32, #tpu.memory_space<vmem>>, vector<2x256xf32>
    %slice3A = vector.extract_strided_slice %get3A_4 {offsets = [0, 0], sizes = [1, 256], strides = [1, 1]} : vector<2x256xf32> to vector<1x256xf32>
    %mul3A = arith.constant 9.99999974E-5 : f32
    %mul3A_5 = vector.broadcast %mul3A : f32 to vector<1x256xf32>
    %mul3A_6 = arith.mulf %slice3A, %mul3A_5 : vector<1x256xf32>
    %slice3A_7 = vector.extract_strided_slice %get3A_4 {offsets = [1, 0], sizes = [1, 256], strides = [1, 1]} : vector<2x256xf32> to vector<1x256xf32>
    %mul3A_8 = arith.constant 9.99999974E-5 : f32
    %mul3A_9 = vector.broadcast %mul3A_8 : f32 to vector<1x256xf32>
    %mul3A_10 = arith.mulf %slice3A_7, %mul3A_9 : vector<1x256xf32>
    %mul3A_11 = arith.mulf %mul3A_6, %mul3A_6 : vector<1x256xf32>
    %sub3A = arith.subf %mul3A_10, %mul3A_11 : vector<1x256xf32>
    %add3A = arith.constant 9.99999974E-6 : f32
    %add3A_12 = vector.broadcast %add3A : f32 to vector<1x256xf32>
    %add3A_13 = arith.addf %sub3A, %add3A_12 : vector<1x256xf32>
    %rsqrt3A = math.rsqrt %add3A_13 : vector<1x256xf32>
    %get3A_14 = arith.constant 0 : index
    %get3A_15 = arith.constant 0 : index
    %get3A_16 = vector.load %arg3[%get3A_14, %get3A_15] : memref<1x256xf32, #tpu.memory_space<vmem>>, vector<1x256xf32>
    %mul3A_17 = arith.mulf %rsqrt3A, %get3A_16 : vector<1x256xf32>
    %sub3A_18 = vector.broadcast %mul3A_6 : vector<1x256xf32> to vector<400x256xf32>
    %sub3A_19 = arith.subf %convert_element_type3A, %sub3A_18 : vector<400x256xf32>
    %mul3A_20 = vector.broadcast %mul3A_17 : vector<1x256xf32> to vector<400x256xf32>
    %mul3A_21 = arith.mulf %sub3A_19, %mul3A_20 : vector<400x256xf32>
    %get3A_22 = arith.constant 0 : index
    %get3A_23 = arith.constant 0 : index
    %get3A_24 = vector.load %arg4[%get3A_22, %get3A_23] : memref<1x256xf32, #tpu.memory_space<vmem>>, vector<1x256xf32>
    %add3A_25 = vector.broadcast %get3A_24 : vector<1x256xf32> to vector<400x256xf32>
    %add3A_26 = arith.addf %mul3A_21, %add3A_25 : vector<400x256xf32>
    %max3A = arith.constant 0.000000e+00 : f32
    %max3A_27 = vector.broadcast %max3A : f32 to vector<400x256xf32>
    %max3A_28 = arith.maximumf %add3A_26, %max3A_27 : vector<400x256xf32>
    %swap3A = arith.constant 0 : index
    %swap3A_29 = arith.constant 0 : index
    %swap3A_30 = vector.load %arg5[%swap3A, %swap3A_29] : memref<400x256xf32, #tpu.memory_space<vmem>>, vector<400x256xf32>
    tpu.vector_store %arg5[%swap3A, %swap3A_29], %max3A_28 {strides = array<i32>} : memref<400x256xf32, #tpu.memory_space<vmem>>, vector<400x256xf32>,
    return
  }
  func.func @transform_0(%arg0: i32) -> (i32, i32) {
    %c0_i32 = arith.constant 0 : i32
    %c0_i32_0 = arith.constant 0 : i32
    return %arg0, %c0_i32 : i32, i32
  }
  func.func @transform_1(%arg0: i32) -> (i32, i32) {
    %c0_i32 = arith.constant 0 : i32
    %c0_i32_0 = arith.constant 0 : i32
    %c0_i32_1 = arith.constant 0 : i32
    return %c0_i32, %c0_i32_0 : i32, i32
  }
  func.func @transform_2(%arg0: i32) -> (i32, i32) {
    %c0_i32 = arith.constant 0 : i32
    %c0_i32_0 = arith.constant 0 : i32
    %c0_i32_1 = arith.constant 0 : i32
    return %c0_i32, %c0_i32_0 : i32, i32
  }
  func.func @transform_3(%arg0: i32) -> (i32, i32) {
    %c0_i32 = arith.constant 0 : i32
    %c0_i32_0 = arith.constant 0 : i32
    %c0_i32_1 = arith.constant 0 : i32
    return %c0_i32, %c0_i32_0 : i32, i32
  }
  func.func @transform_4(%arg0: i32) -> (i32, i32) {
    %c0_i32 = arith.constant 0 : i32
    %c0_i32_0 = arith.constant 0 : i32
    return %arg0, %c0_i32 : i32, i32
  }
}

</mosaic_0001>

<sc_bundles>
// kernel: kernel.10.cloned.1.call-start
scs
__scs_entry_jumppad:
0x0: {  	(pc) =	sbr.rel $0x88, $3  }
0x1: {  	(tag) =	ssettag $0x0;
	lr =	simm.s32 $0x1  }
0x2: {  	[smem:$0x3F9C] =	sst lr;
	_ =	strace $0xD0000000  }
0x3: {  	_ = 	snop  }
0x4: {  	_ = 	snop  }
0x5: {  	_ = 	snop  }
0x6: {  	_ = 	snop  }
0x7: {  	_ = 	snop  }
__scs_overlays_trampoline_lowered:
0x8: {  	[smem:$0x3FAB] =	sst s0  }
0x9: {  	[smem:$0x3FAC] =	sst s1  }
0xa: {  	[smem:$0x3FAD] =	sst s2  }
0xb: {  	[smem:$0x3FAE] =	sst s3  }
0xc: {  	[smem:$0x3FAF] =	sst s4  }
0xd: {  	[smem:$0x3FB0] =	sst s5  }
0xe: {  	[smem:$0x3FB1] =	sst s6  }
0xf: {  	[smem:$0x3FB2] =	sst s7  }
0x10: {  	[smem:$0x3FB3] =	sst s8  }
0x11: {  	[smem:$0x3FB4] =	sst s9;
	s0 =	simm.s32 @!p0 $0x0  }
0x12: {  	s1 =	sld [smem:$0x3F9A];
	s0 =	simm.s32 @p0 $0x1  }
0x13: {  	[smem:$0x3FB5] =	sst s0;
	s0 =	simm.s32 @!p1 $0x0  }
0x14: {  	s2 =	sld [smem:$0x3F99];
	s0 =	simm.s32 @p1 $0x1  }
0x15: {  	[smem:$0x3FB6] =	sst s0;
	s0 =	simm.s32 @!p2 $0x0  }
0x16: {  	s3 =	sld [smem:$0x3FDB];
	s0 =	simm.s32 @p2 $0x1  }
0x17: {  	s4 =	simm.s32 $0x1BF5;
	[smem:$0x3FB8] =	sst s0  }
0x18: {  	s0 =	sld [smem:$0x3F9B];
	_ =	swait.ge [sflag:s4], $0x0  }
0x19: {  	s7 =	sld [smem:$0x3F9C]  }
0x1a: {  	s8 =	sadd.s32 $0xFFFFE003, lr  }
0x1b: {  	s9 =	sadd.s32 $0xFFFFFEF7, lr;
	s5 =	simm.s32 $0xFFFFFFFF;
	p2 =	slt.u32 s8, $0xFFFFF086  }
0x1c: {  	p1 =	slt.u32 s9, $0xF7A;
	s5 =	simm.s32 @!p2 $0x0  }
0x1d: {  	s5 =	simm.s32 @p1 $0x1;
	p0 =	seq.s32 s7, s2  }
0x1e: {  	s7 =	smul.u32 @!p0 $0xF7A, s2;
	p2 =	seq.s32 @!p0 s5, $0x0  }
0x1f: {  	s9 =	smul.u32 $0xF7A, s1;
	s8 =	simm.s32 @!p0 $0x1BF5;
	p2 =	por !p2, p0  }
0x20: {  	[sflag:s8] =	ssyncset.s32 @!p0 $0xFFFFF086;
	s6 =	sadd.s32 @!p0 s3, s7;
	s7 =	simm.s32 @!p0 $0x108  }
0x21: {  	s3 =	sadd.s32 s3, s9;
	s6 =	sadd.s32 @!p0 $0x88, s6;
	s7 =	simm.s32 @p2 $0x1082  }
0x22: {  	[simem:s7], [sflag:s8] =	dma.local @!p0 [hbm:s6], $0xF7A  }
0x23: {  	s9 =	sor.u32 $0xD0000000, s2;
	s6 =	simm.s32 $0x108;
	_ =	swait.ge @!p0 [sflag:s8], $0x0  }
0x24: {  	s3 =	sadd.s32 $0x88, s3;
	s6 =	simm.s32 @!p1 $0x1082;
	[sflag:s4] =	ssyncset.s32 $0xFFFFF086  }
0x25: {  	[simem:s6], [sflag:s4] =	dma.local [hbm:s3], $0xF7A  }
0x26: {  	[smem:$0x3F9C] =	sst s1;
	(tag) =	ssettag s2;
	_ =	strace s9  }
0x27: {  	s1 =	sld [smem:$0x3FAC]  }
0x28: {  	s2 =	sld [smem:$0x3FAD]  }
0x29: {  	s4 =	sld [smem:$0x3FAF]  }
0x2a: {  	p0 =	seq.s32 s5, $0x0;
	s5 =	sld [smem:$0x3FB0]  }
0x2b: {  	s6 =	sld [smem:$0x3FB1]  }
0x2c: {  	s7 =	sld [smem:$0x3FB2]  }
0x2d: {  	s3 =	simm.s32 $0x108;
	s8 =	sld [smem:$0x3FB3]  }
0x2e: {  	s3 =	simm.s32 @!p0 $0x1082;
	s9 =	sld [smem:$0x3FB4]  }
0x2f: {  	lr =	sadd.s32 s0, s3;
	s0 =	sld [smem:$0x3FAB]  }
0x30: {  	s3 =	sld [smem:$0x3FAE]  }
0x31: {  	[smem:$0x3FB7] =	sst s10  }
0x32: {  	s10 =	sld [smem:$0x3FB5];
	_ =	sdelay $0x3  }
0x33: {  	p0 =	seq.s32 s10, $0x1;
	s10 =	sld [smem:$0x3FB7];
	_ =	sdelay $0x3  }
0x34: {  	[smem:$0x3FB7] =	sst s10  }
0x35: {  	s10 =	sld [smem:$0x3FB6];
	_ =	sdelay $0x3  }
0x36: {  	p1 =	seq.s32 s10, $0x1;
	s10 =	sld [smem:$0x3FB7];
	_ =	sdelay $0x3  }
0x37: {  	[smem:$0x3FB7] =	sst s10  }
0x38: {  	s10 =	sld [smem:$0x3FB8]  }
0x39: {  	_ = 	snop;
	(pc) =	sbr.ind lr, $3  }
0x3a: {  	_ = 	snop  }
0x3b: {  	_ = 	snop  }
0x3c: {  	p2 =	seq.s32 s10, $0x1;
	s10 =	sld [smem:$0x3FB7]  }
0x3d: {  	_ =	shalt  }
0x3e: {  	_ =	shalt  }
0x3f: {  	_ =	shalt  }
0x40: {  	_ =	shalt  }
0x41: {  	_ =	shalt  }
0x42: {  	_ =	shalt  }
0x43: {  	_ =	shalt  }
0x44: {  	_ =	shalt  }
0x45: {  	_ =	shalt  }
0x46: {  	_ =	shalt  }
0x47: {  	_ =	shalt  }
0x48: {  	_ =	shalt  }
0x49: {  	_ =	shalt  }
0x4a: {  	_ =	shalt  }
0x4b: {  	_ =	shalt  }
0x4c: {  	_ =	shalt  }
0x4d: {  	_ =	shalt  }
0x4e: {  	_ =	shalt  }
0x4f: {  	_ =	shalt  }
0x50: {  	_ =	shalt  }
0x51: {  	_ =	shalt  }
0x52: {  	_ =	shalt  }
0x53: {  	_ =	shalt  }
0x54: {  	_ =	shalt  }
0x55: {  	_ =	shalt  }
0x56: {  	_ =	shalt  }
0x57: {  	_ =	shalt  }
0x58: {  	_ =	shalt  }
0x59: {  	_ =	shalt  }
0x5a: {  	_ =	shalt  }
0x5b: {  	_ =	shalt  }
0x5c: {  	_ =	shalt  }
0x5d: {  	_ =	shalt  }
0x5e: {  	_ =	shalt  }
0x5f: {  	_ =	shalt  }
0x60: {  	_ =	shalt  }
0x61: {  	_ =	shalt  }
0x62: {  	_ =	shalt  }
0x63: {  	_ =	shalt  }
0x64: {  	_ =	shalt  }
0x65: {  	_ =	shalt  }
0x66: {  	_ =	shalt  }
0x67: {  	_ =	shalt  }
0x68: {  	_ =	shalt  }
0x69: {  	_ =	shalt  }
0x6a: {  	_ =	shalt  }
0x6b: {  	_ =	shalt  }
0x6c: {  	_ =	shalt  }
0x6d: {  	_ =	shalt  }
0x6e: {  	_ =	shalt  }
0x6f: {  	_ =	shalt  }
0x70: {  	_ =	shalt  }
0x71: {  	_ =	shalt  }
0x72: {  	_ =	shalt  }
0x73: {  	_ =	shalt  }
0x74: {  	_ =	shalt  }
0x75: {  	_ =	shalt  }
0x76: {  	_ =	shalt  }
0x77: {  	_ =	shalt  }
0x78: {  	_ =	shalt  }
0x79: {  	_ =	shalt  }
0x7a: {  	_ =	shalt  }
0x7b: {  	_ =	shalt  }
0x7c: {  	_ =	shalt  }
0x7d: {  	_ =	shalt  }
0x7e: {  	_ =	shalt  }
0x7f: {  	_ =	shalt  }
0x80: {  	_ =	shalt  }
0x81: {  	_ =	shalt  }
0x82: {  	_ =	shalt  }
0x83: {  	_ =	shalt  }
0x84: {  	_ =	shalt  }
0x85: {  	_ =	shalt  }
0x86: {  	_ =	shalt  }
0x87: {  	_ =	shalt  }
.Lfunc_end0:
.L_simem_size_0:
called_computation.1_lowered:
.L_overlay_start_0:
0x88: {  	s2 =	sld [smem:$0x3FD9]  }
0x89: {  	s3 =	sld [smem:$0x3FFE];
	_ =	sdelay $0x1  }
0x8a: {  	s1 =	srdreg.scid  }
0x8b: {  	s0 =	sand.u32 $0x1, s1  }
0x8c: {  	s17 =	sshll.u32 s0, $0xA;
	s2 =	sadd.s32 s3, s2  }
0x8d: {  	s2 =	sadd.s32 s2, s17  }
0x8e: {  	[smem:$0x3FC3] =	sst s2  }
0x8f: {  	_ = 	snop  }
0x90: {  	s2 =	sld [smem:$0x3FD0];
	(tm) =	ssettm $0x1  }
0x91: {  	s18 =	sld [smem:$0x3FFB];
	_ =	sdelay $0x3  }
0x92: {  	_ =	strace s18  }
0x93: {  	s3 =	sld [smem:$0x3FFC];
	_ =	sdelay $0x3  }
0x94: {  	_ =	strace s3  }
0x95: {  	s3 =	sld [smem:$0x3FFD];
	_ =	sdelay $0x3  }
0x96: {  	_ =	strace s3  }
0x97: {  	_ =	strace $0x8FFFFFFF  }
0x98: {  	s19 =	sld [smem:$0x3FDB];
	_ =	sdelay $0x1  }
0x99: {  	s4 =	simm.s32 $_scs_section_size  }
0x9a: {  	s5 =	simm.s32 $_size__tile_overlayer_lowered;
	s6 =	simm.s32 $_tile_overlayer_lowered  }
0x9b: {  	s22 =	simm.s32 $0x1BFF;
	s21 =	sshll.u32 s6, $0x1;
	s3 =	sadd.s32 s4, s19  }
0x9c: {  	s7 =	simm.s32 $0x0;
	s20 =	sshll.u32 s5, $0x1;
	s5 =	sadd.s32 s21, s3  }
0x9d: {  	[timem:s7], [sflag:s22] =	dma.local [hbm:s5], s20  }
0x9e: {  	_ =	swait.ge [sflag:s22], s20  }
0x9f: {  	s4 =	ssub.s32 $0x0, s20;
	[sflag:s22] =	ssyncset.done $0x0  }
0xa0: {  	[sflag:s22] =	ssyncadd.s32 s4;
	_ =	sdelay $0x1  }
0xa1: {  	s23 =	simm.s32 $0x1B8B  }
0xa2: {  	_ =	swait.ge [sflag:s23], $0x1  }
0xa3: {  	[sflag:s23] =	ssyncset.done $0x0  }
0xa4: {  	s25 =	simm.s32 $0x1B8E;
	s24 =	sld [smem:$0x3FFE];
	[sflag:s23] =	ssyncadd.s32 $0xFFFFFFFF  }
0xa5: {  	s26 =	simm.s32 $execute0_lowered;
	[smem:$0x3FD2] =	sst s25  }
0xa6: {  	s5 =	sshll.u32 s26, $0x1;
	_ =	strace $0x80000049;
	[dreg:$0x1] =	wrdreg $0xFFFFFFFF  }
0xa7: {  	s28 =	simm.s32 $_size_execute0_lowered;
	s3 =	sadd.s32 s3, s5;
	[dreg:$0x0] =	wrdreg $0x0  }
0xa8: {  	s5 =	sshll.u32 s28, $0x1;
	[dreg:$0x2] =	wrdreg s3  }
0xa9: {  	[dreg:$0x3] =	wrdreg s5  }
0xaa: {  	[dreg:$0x4] =	wrdreg $0xC0  }
0xab: {  	_ =	task [dreg:s7], $0x5FFFF  }
0xac: {  	[dreg:$0x1] =	wrdreg $0xFFFFFFFF  }
0xad: {  	[dreg:$0x0] =	wrdreg $0x60  }
0xae: {  	[dreg:$0x2] =	wrdreg s24  }
0xaf: {  	[dreg:$0x3] =	wrdreg s2  }
0xb0: {  	[dreg:$0x4] =	wrdreg $0xB2200  }
0xb1: {  	[dreg:$0x5] =	wrdreg $0x9  }
0xb2: {  	_ =	task.clear_ibuf [dreg:s7], $0x6FFFF;
	_ =	strace $0x90000049  }
0xb3: {  	s29 =	simm.s32 $0x9;
	_ =	strace $0x8000004B  }
0xb4: {  	_ =	swait.ge [sflag:s29], $0x1  }
0xb5: {  	[sflag:s29] =	ssyncadd.s32 $0xFFFFFFFF  }
0xb6: {  	_ =	strace $0x9000004B  }
0xb7: {  	_ =	sfence  }
0xb8: {  	s30 =	sld [smem:$0x0];
	_ =	sdelay $0x2  }
0xb9: {  	s31 =	sshll.u32 s1, $0xD;
	s1 =	sshrl.u32 s1, $0x2  }
0xba: {  	s3 =	sand.u32 $0x4000, s31;
	s1 =	sadd.s32 s1, s30  }
0xbb: {  	s0 =	sor.u32 s3, s0;
	s1 =	sshll.u32 s1, $0x11  }
0xbc: {  	s0 =	sor.u32 s1, s0  }
0xbd: {  	s0 =	sadd.s32 $0x8F2B, s0  }
0xbe: {  	[sflag:s0] =	ssyncadd.remote.s32 $0x1  }
0xbf: {  	_ =	sfence.sel $0xFFFF  }
0xc0: {  	[dreg:$0x0] =	wrdreg $0xFFFFFFFF;
	(pc) =	sbr.abs _section_cstart, $3  }
0xc1: {  	[dreg:$0x1] =	wrdreg $0xFFFFFFFF  }
0xc2: {  	_ =	task.clear_ibuf [dreg:s7], $0x2FFFF;
	_ =	strace $0x9FFFFFFF  }
0xc3: {  	(tm) =	ssettm $0x7FFFFFFF  }
tec
execute0_lowered:
.L_overlay_start_1:
0x0: {  	(tag) =	ssettag $0x1  }
0x1: {  	s0 =	rddreg [dreg:$0x0]  }
0x2: {  	s1 =	rddreg [dreg:$0x1]  }
0x3: {  	s2 =	rddreg [dreg:$0x2]  }
0x4: {  	s3 =	simm.s32 $0x0;
	s8 =	stileid.u32;
	s6 =	srdreg.scid  }
0x5: {  	s28 =	simm.s32 $0x2;
	s31 =	simm.s32 $0x9E20;
	s5 =	smul.u32 $0x4E2, s8  }
0x6: {  	s29 =	simm.s32 $0x4;
	s30 =	simm.s32 $0x5;
	s7 =	smul.u32 $0x28000, s8  }
0x7: {  	[smem:$0x7FF] =	sst s3;
	s6 =	sand.u32 $0x1, s6;
	s8 =	smul.u32 $0x14000, s8  }
0x8: {  	s4 =	sadd.s32 $0x5B400, s0;
	_ =	strace $0x8000004A;
	s14 =	smul.u32 $0x140000, s6  }
0x9: {  	s17 =	ssub.s32 $0x2, s6;
	s6 =	smul.u32 $0x2710, s6;
	s0 =	sadd.s32 s5, s0  }
0xa: {  	s7 =	sshrl.u32 s7, $0x2;
	s9 =	sshrl.u32 s17, $0x1;
	s10 =	sshrl.u32 s8, $0x1  }
0xb: {  	s7 =	sadd.s32 s7, s2;
	s9 =	ssub.s32 s17, s9;
	s5 =	sadd.s32 s10, s2  }
0xc: {  	s24 =	sadd.s32 $0x1400, s0;
	s25 =	sadd.s32 s8, s14;
	s14 =	sadd.s32 $0x6400, s0  }
0xd: {  	s17 =	simm.s32 $0x4E20;
	s18 =	sadd.s32 $0x1400, s7;
	[dreg:$0xb] =	wrdreg s24  }
0xe: {  	s0 =	simm.s32 $0x3;
	s19 =	sadd.s32 $0x2800, s7;
	[dreg:$0x4] =	wrdreg s18  }
0xf: {  	v0 =	vmov s6;
	s6 =	simm.s32 $0x9;
	s20 =	sadd.s32 $0x3C00, s7;
	[dreg:$0x5] =	wrdreg s19  }
0x10: {  	s21 =	sadd.s32 $0x5000, s7;
	s22 =	sadd.s32 $0x6400, s7;
	[dreg:$0x6] =	wrdreg s20  }
0x11: {  	s23 =	sadd.s32 $0x7800, s7;
	s7 =	sadd.s32 $0x8C00, s7;
	[dreg:$0x7] =	wrdreg s21  }
0x12: {  	s26 =	sshrl.u32 s25, $0x4;
	s16 =	smax.u32 s9, $0x1;
	[dreg:$0x8] =	wrdreg s22  }
.Ltmp0:
0x13: {  	s24 =	simm.s32 $0x1;
	[dreg:$0x9] =	wrdreg s23;
	(pc) =	sbr.rel .LBB2_1-.Ltmp0, $4  }
0x14: {  	s25 =	simm.s32 $0x8;
	[dreg:$0xa] =	wrdreg s7;
	s15 =	sadd.s32 s1, s26  }
0x15: {  	s18 =	simm.s32 $0xB;
	s19 =	simm.s32 $0x2710;
	s20 =	simm.s32 $0x50  }
0x16: {  	s21 =	simm.s32 $0x6220;
	s23 =	simm.s32 $0x7620;
	s26 =	simm.s32 $0x8A20  }
0x17: {  	v1 =	vimm.bf16 $0.0e+00;
	s22 =	simm.s32 $0x6;
	s1 =	simm.s32 $0x7;
	s7 =	simm.s32 $0xA  }
.LBB2_8:
0x18: {  	_ =	swait.ge [sflag:s6], $0x1400  }
0x19: {  	[sflag:s6] =	ssyncset.done $0x0  }
0x1a: {  	[sflag:s6] =	ssyncadd.s32 $0xFFFFEC00  }
0x1b: {  	s8 =	stileid.u32;
	_ =	swait.ge [sflag:s7], $0x1400  }
0x1c: {  	s9 =	sshrl.u32 s5, $0x3;
	s3 =	sadd.s32 $0x1, s3;
	[sflag:s7] =	ssyncset.done $0x0  }
0x1d: {  	s8 =	sshll.u32 s8, $0x6;
	p0 =	sne.s32 s3, s16;
	[sflag:s7] =	ssyncadd.s32 $0xFFFFEC00  }
.Ltmp1:
0x1e: {  	s8 =	sor.u32 $0x1C0B, s8;
	[bflag:$0x0] =	sbarrier.arrive $0xFFFF;
	(pc) =	sbr.rel @!p0 .LBB2_9-.Ltmp1, $4  }
0x1f: {  	[hbm:s15], [sflag:s8] =	dma.local [spmem:s9], $0x1400  }
0x20: {  	_ =	swait.ge [sflag:s18], $0x1400  }
0x21: {  	[sflag:s18] =	ssyncset.done $0x0  }
0x22: {  	[sflag:s18] =	ssyncadd.s32 $0xFFFFEC00  }
.LBB2_1:
0x23: {  	s9 =	simm.s32 $0x100;
	s8 =	simm.s32 $0x0  }
.LBB2_2:
0x24: {  	p0 =	sne.s32 s9, $0x4F00;
	[tilespmem:s8+$0x4E50] =	vst v1;
	s10 =	smov.u32 s9;
	s9 =	sadd.s32 $0x100, s9  }
.Ltmp2:
0x25: {  	[tilespmem:s8+$0x4E40] =	vst v1;
	(pc) =	sbr.rel @p0 .LBB2_2-.Ltmp2, $3  }
0x26: {  	[tilespmem:s8+$0x4E20] =	vst v1  }
0x27: {  	[tilespmem:s8+$0x4E30] =	vst v1;
	_ =	sdelay $0x1  }
0x28: {  	s8 =	sshra.s32 s10, $0x2  }
0x29: {  	[tilespmem:s8+$0x4E50] =	vst v1  }
0x2a: {  	[tilespmem:s8+$0x4E40] =	vst v1  }
0x2b: {  	[tilespmem:s8+$0x4E20] =	vst v1  }
0x2c: {  	[tilespmem:s8+$0x4E30] =	vst v1  }
0x2d: {  	[spmem:s5] =	stream.linear.scatter [tilespmem:s17], [sflag:$0xB], $0x1400, $0x38;
	[tilespmem:$0x15220] =	vst v63  }
0x2e: {  	_ =	swait.ge [sflag:s18], $0x1400  }
0x2f: {  	[sflag:s18] =	ssyncset.done $0x0  }
0x30: {  	s11 =	rddreg [dreg:$0x4];
	[sflag:s18] =	ssyncadd.s32 $0xFFFFEC00  }
0x31: {  	[spmem:s11] =	stream.linear.scatter [tilespmem:s17], [sflag:$0xB], $0x1400, $0x38;
	[tilespmem:$0x15220] =	vst v63  }
0x32: {  	_ =	swait.ge [sflag:s18], $0x1400  }
0x33: {  	[sflag:s18] =	ssyncset.done $0x0  }
0x34: {  	s12 =	rddreg [dreg:$0x5];
	[sflag:s18] =	ssyncadd.s32 $0xFFFFEC00  }
0x35: {  	[spmem:s12] =	stream.linear.scatter [tilespmem:s17], [sflag:$0xB], $0x1400, $0x38;
	[tilespmem:$0x15220] =	vst v63  }
0x36: {  	_ =	swait.ge [sflag:s18], $0x1400  }
0x37: {  	[sflag:s18] =	ssyncset.done $0x0  }
0x38: {  	s13 =	rddreg [dreg:$0x6];
	[sflag:s18] =	ssyncadd.s32 $0xFFFFEC00  }
0x39: {  	[spmem:s13] =	stream.linear.scatter [tilespmem:s17], [sflag:$0xB], $0x1400, $0x38;
	[tilespmem:$0x15220] =	vst v63  }
0x3a: {  	_ =	swait.ge [sflag:s18], $0x1400  }
0x3b: {  	[sflag:s18] =	ssyncset.done $0x0  }
0x3c: {  	s9 =	rddreg [dreg:$0x7];
	[sflag:s18] =	ssyncadd.s32 $0xFFFFEC00  }
0x3d: {  	[spmem:s9] =	stream.linear.scatter [tilespmem:s17], [sflag:$0xB], $0x1400, $0x38;
	[tilespmem:$0x15220] =	vst v63  }
0x3e: {  	_ =	swait.ge [sflag:s18], $0x1400  }
0x3f: {  	[sflag:s18] =	ssyncset.done $0x0  }
0x40: {  	s10 =	rddreg [dreg:$0x8];
	[sflag:s18] =	ssyncadd.s32 $0xFFFFEC00  }
0x41: {  	[spmem:s10] =	stream.linear.scatter [tilespmem:s17], [sflag:$0xB], $0x1400, $0x38;
	[tilespmem:$0x15220] =	vst v63  }
0x42: {  	_ =	swait.ge [sflag:s18], $0x1400  }
0x43: {  	[sflag:s18] =	ssyncset.done $0x0  }
0x44: {  	s11 =	rddreg [dreg:$0x9];
	[sflag:s18] =	ssyncadd.s32 $0xFFFFEC00  }
0x45: {  	[spmem:s11] =	stream.linear.scatter [tilespmem:s17], [sflag:$0xB], $0x1400, $0x38;
	[tilespmem:$0x15220] =	vst v63  }
0x46: {  	_ =	swait.ge [sflag:s18], $0x1400  }
0x47: {  	[sflag:s18] =	ssyncset.done $0x0  }
0x48: {  	s12 =	rddreg [dreg:$0xa];
	[sflag:s18] =	ssyncadd.s32 $0xFFFFEC00  }
0x49: {  	[spmem:s12] =	stream.linear.scatter [tilespmem:s17], [sflag:$0xB], $0x1400, $0x38;
	[tilespmem:$0x15220] =	vst v63  }
0x4a: {  	_ =	swait.ge [sflag:s18], $0x1400  }
0x4b: {  	[sflag:s18] =	ssyncset.done $0x0  }
0x4c: {  	s13 =	simm.s32 $0x0;
	s9 =	rddreg [dreg:$0xb];
	[sflag:s18] =	ssyncadd.s32 $0xFFFFEC00  }
0x4d: {  	[tilespmem:s13], [sflag:$0xB] =	stream.linear.gather [hbm4b:s9+s13], $0x2710, $0x38;
	[tilespmem:$0x15220] =	vst v63  }
0x4e: {  	_ =	swait.ge [sflag:s18], $0x2710  }
0x4f: {  	[sflag:s18] =	ssyncset.done $0x0  }
0x50: {  	[sflag:s18] =	ssyncadd.s32 $0xFFFFD8F0  }
0x51: {  	[tilespmem:s19], [sflag:$0xB] =	stream.linear.gather [hbm4b:s14+s13], $0x2710, $0x38;
	[tilespmem:$0x15220] =	vst v63  }
0x52: {  	_ =	swait.ge [sflag:s18], $0x2710  }
0x53: {  	[sflag:s18] =	ssyncset.done $0x0  }
0x54: {  	s8 =	simm.s32 $0x0;
	s9 =	simm.s32 $0x40;
	[sflag:s18] =	ssyncadd.s32 $0xFFFFD8F0  }
.LBB2_4:
0x55: {  	p0 =	sne.s32 s9, $0x9C00;
	v2 =	vld [tilespmem:s8+$0x0];
	_ =	sdelay $0x1  }
.Ltmp3:
0x56: {  	(pc) =	sbr.rel @p0 .LBB2_4-.Ltmp3, $3  }
0x57: {  	_ =	sdelay $0x1  }
0x58: {  	v2 =	vadd.s32 v0, v2  }
0x59: {  	[tilespmem:s8+$0x0] =	vst v2;
	s8 =	sshra.s32 s9, $0x2;
	s9 =	sadd.s32 $0x40, s9  }
0x5a: {  	v2 =	vld [tilespmem:s8+$0x0];
	_ =	sdelay $0x4  }
0x5b: {  	v2 =	vadd.s32 v0, v2  }
0x5c: {  	[tilespmem:s8+$0x0] =	vst v2  }
0x5d: {  	s8 =	simm.s32 $0x0;
	[bflag:$0x0] =	sbarrier.arrive $0xFFFF  }
0x5e: {  	[tilespmem:s17], [sflag:$0x1] =	stream.indirect.gather [hbm4b:s4+s20], $0x40, s8, s20, $0xb8;
	[tilespmem:$0x15220] =	vst v63  }
0x5f: {  	_ = 	snop  }
0x60: {  	[tilespmem:s21], [sflag:$0x2] =	stream.indirect.gather [hbm4b:s4+s20], $0x40, s20, s20, $0xb8;
	[tilespmem:$0x15220] =	vst v63  }
0x61: {  	s9 =	simm.s32 $0xA0  }
0x62: {  	[tilespmem:s23], [sflag:$0x3] =	stream.indirect.gather [hbm4b:s4+s20], $0x40, s9, s20, $0xb8;
	[tilespmem:$0x15220] =	vst v63  }
0x63: {  	_ =	swait.ge [sflag:s24], $0x1400  }
0x64: {  	[sflag:s24] =	ssyncset.done $0x0  }
0x65: {  	[sflag:s24] =	ssyncadd.s32 $0xFFFFEC00  }
0x66: {  	[spmem:s2] =	stream.indirect.scatter.add.bf16 [tilespmem:s17], [sflag:$0x6], $0x40, s19, s20, $0xb8;
	[tilespmem:$0x15220] =	vst v63  }
0x67: {  	s13 =	simm.s32 $0xF0  }
0x68: {  	[tilespmem:s26], [sflag:$0x4] =	stream.indirect.gather [hbm4b:s4+s20], $0x40, s13, s20, $0xb8;
	[tilespmem:$0x15220] =	vst v63  }
0x69: {  	_ =	swait.ge [sflag:s28], $0x1400  }
0x6a: {  	[sflag:s28] =	ssyncset.done $0x0  }
0x6b: {  	s10 =	simm.s32 $0x2760;
	[sflag:s28] =	ssyncadd.s32 $0xFFFFEC00  }
0x6c: {  	[spmem:s2] =	stream.indirect.scatter.add.bf16 [tilespmem:s21], [sflag:$0x7], $0x40, s10, s20, $0xb8;
	[tilespmem:$0x15220] =	vst v63  }
0x6d: {  	s11 =	simm.s32 $0x140  }
0x6e: {  	[tilespmem:s31], [sflag:$0x5] =	stream.indirect.gather [hbm4b:s4+s20], $0x40, s11, s20, $0xb8;
	[tilespmem:$0x15220] =	vst v63  }
0x6f: {  	_ =	swait.ge [sflag:s0], $0x1400  }
0x70: {  	[sflag:s0] =	ssyncset.done $0x0  }
0x71: {  	s12 =	simm.s32 $0x27B0;
	[sflag:s0] =	ssyncadd.s32 $0xFFFFEC00  }
0x72: {  	[spmem:s2] =	stream.indirect.scatter.add.bf16 [tilespmem:s23], [sflag:$0x8], $0x40, s12, s20, $0xb8;
	[tilespmem:$0x15220] =	vst v63  }
0x73: {  	_ =	swait.ge [sflag:s22], $0x1400  }
0x74: {  	[sflag:s22] =	ssyncset.done $0x0  }
0x75: {  	s13 =	simm.s32 $0x190;
	[sflag:s22] =	ssyncadd.s32 $0xFFFFEC00  }
0x76: {  	[tilespmem:s17], [sflag:$0x1] =	stream.indirect.gather [hbm4b:s4+s20], $0x40, s13, s20, $0xb8;
	[tilespmem:$0x15220] =	vst v63  }
0x77: {  	_ =	swait.ge [sflag:s29], $0x1400  }
0x78: {  	[sflag:s29] =	ssyncset.done $0x0  }
0x79: {  	s10 =	simm.s32 $0x2800;
	[sflag:s29] =	ssyncadd.s32 $0xFFFFEC00  }
0x7a: {  	[spmem:s2] =	stream.indirect.scatter.add.bf16 [tilespmem:s26], [sflag:$0x9], $0x40, s10, s20, $0xb8;
	[tilespmem:$0x15220] =	vst v63  }
0x7b: {  	_ =	swait.ge [sflag:s1], $0x1400  }
0x7c: {  	[sflag:s1] =	ssyncset.done $0x0  }
0x7d: {  	s11 =	simm.s32 $0x1E0;
	[sflag:s1] =	ssyncadd.s32 $0xFFFFEC00  }
0x7e: {  	[tilespmem:s21], [sflag:$0x2] =	stream.indirect.gather [hbm4b:s4+s20], $0x40, s11, s20, $0xb8;
	[tilespmem:$0x15220] =	vst v63  }
0x7f: {  	_ =	swait.ge [sflag:s30], $0x1400  }
0x80: {  	[sflag:s30] =	ssyncset.done $0x0  }
0x81: {  	s12 =	simm.s32 $0x2850;
	[sflag:s30] =	ssyncadd.s32 $0xFFFFEC00  }
0x82: {  	[spmem:s2] =	stream.indirect.scatter.add.bf16 [tilespmem:s31], [sflag:$0xA], $0x40, s12, s20, $0xb8;
	[tilespmem:$0x15220] =	vst v63  }
0x83: {  	_ =	swait.ge [sflag:s25], $0x1400  }
0x84: {  	[sflag:s25] =	ssyncset.done $0x0  }
0x85: {  	s13 =	simm.s32 $0x230;
	[sflag:s25] =	ssyncadd.s32 $0xFFFFEC00  }
0x86: {  	[tilespmem:s23], [sflag:$0x3] =	stream.indirect.gather [hbm4b:s4+s20], $0x40, s13, s20, $0xb8;
	[tilespmem:$0x15220] =	vst v63  }
.LBB2_6:
0x87: {  	_ =	swait.ge [sflag:s24], $0x1400  }
0x88: {  	s9 =	sshra.s32 s8, $0x2;
	[sflag:s24] =	ssyncset.done $0x0  }
0x89: {  	s10 =	sadd.s32 $0x28A0, s9;
	[sflag:s24] =	ssyncadd.s32 $0xFFFFEC00  }
0x8a: {  	[spmem:s2] =	stream.indirect.scatter.add.bf16 [tilespmem:s17], [sflag:$0x6], $0x40, s10, s20, $0xb8;
	[tilespmem:$0x15220] =	vst v63  }
0x8b: {  	_ =	swait.ge [sflag:s6], $0x1400  }
0x8c: {  	[sflag:s6] =	ssyncset.done $0x0  }
0x8d: {  	s12 =	sadd.s32 $0x280, s9;
	[sflag:s6] =	ssyncadd.s32 $0xFFFFEC00  }
0x8e: {  	[tilespmem:s26], [sflag:$0x4] =	stream.indirect.gather [hbm4b:s4+s20], $0x40, s12, s20, $0xb8;
	[tilespmem:$0x15220] =	vst v63  }
0x8f: {  	_ =	swait.ge [sflag:s28], $0x1400  }
0x90: {  	[sflag:s28] =	ssyncset.done $0x0  }
0x91: {  	s13 =	sadd.s32 $0x28F0, s9;
	[sflag:s28] =	ssyncadd.s32 $0xFFFFEC00  }
0x92: {  	[spmem:s2] =	stream.indirect.scatter.add.bf16 [tilespmem:s21], [sflag:$0x7], $0x40, s13, s20, $0xb8;
	[tilespmem:$0x15220] =	vst v63  }
0x93: {  	_ =	swait.ge [sflag:s7], $0x1400  }
0x94: {  	[sflag:s7] =	ssyncset.done $0x0  }
0x95: {  	s11 =	sadd.s32 $0x2D0, s9;
	[sflag:s7] =	ssyncadd.s32 $0xFFFFEC00  }
0x96: {  	[tilespmem:s31], [sflag:$0x5] =	stream.indirect.gather [hbm4b:s4+s20], $0x40, s11, s20, $0xb8;
	[tilespmem:$0x15220] =	vst v63  }
0x97: {  	_ =	swait.ge [sflag:s0], $0x1400  }
0x98: {  	[sflag:s0] =	ssyncset.done $0x0  }
0x99: {  	s12 =	sadd.s32 $0x2940, s9;
	[sflag:s0] =	ssyncadd.s32 $0xFFFFEC00  }
0x9a: {  	[spmem:s2] =	stream.indirect.scatter.add.bf16 [tilespmem:s23], [sflag:$0x8], $0x40, s12, s20, $0xb8;
	[tilespmem:$0x15220] =	vst v63  }
0x9b: {  	_ =	swait.ge [sflag:s22], $0x1400  }
0x9c: {  	p0 =	seq.s32 s8, $0x8FC0;
	[sflag:s22] =	ssyncset.done $0x0  }
0x9d: {  	s10 =	simm.s32 @p0 $0x4;
	[sflag:s22] =	ssyncadd.s32 $0xFFFFEC00  }
0x9e: {  	_ =	swait.ge @p0 [sflag:s10], $0x1400  }
0x9f: {  	[sflag:s10] =	ssyncset.done @p0 $0x0  }
0xa0: {  	[sflag:s10] =	ssyncadd.s32 @p0 $0xFFFFEC00;
	s10 =	sshra.s32 @p0 s8, $0x2  }
0xa1: {  	s11 =	simm.s32 @p0 $0x50;
	s12 =	simm.s32 @p0 $0x8A20;
	s10 =	sadd.s32 @p0 $0x2990, s10  }
0xa2: {  	[spmem:s2] =	stream.indirect.scatter.add.bf16 @p0 [tilespmem:s12], [sflag:$0x9], $0x40, s10, s11, $0xb8;
	[tilespmem:$0x15220] =	vst v63  }
0xa3: {  	s10 =	simm.s32 @p0 $0x7  }
0xa4: {  	_ =	swait.ge @p0 [sflag:s10], $0x1400  }
0xa5: {  	[sflag:s10] =	ssyncset.done @p0 $0x0  }
0xa6: {  	[sflag:s10] =	ssyncadd.s32 @p0 $0xFFFFEC00;
	s10 =	sshra.s32 @!p0 s8, $0x2  }
0xa7: {  	s13 =	simm.s32 @!p0 $0x4E20;
	s12 =	simm.s32 @!p0 $0x50;
	s11 =	sadd.s32 @!p0 $0x320, s10  }
0xa8: {  	[tilespmem:s13], [sflag:$0x1] =	stream.indirect.gather @!p0 [hbm4b:s4+s12], $0x40, s11, s12, $0xb8;
	[tilespmem:$0x15220] =	vst v63  }
0xa9: {  	s11 =	simm.s32 @!p0 $0x4  }
0xaa: {  	_ =	swait.ge @!p0 [sflag:s11], $0x1400  }
0xab: {  	[sflag:s11] =	ssyncset.done @!p0 $0x0  }
0xac: {  	s13 =	simm.s32 @!p0 $0x8A20;
	[sflag:s11] =	ssyncadd.s32 @!p0 $0xFFFFEC00;
	s11 =	sadd.s32 @!p0 $0x2990, s10  }
0xad: {  	[spmem:s2] =	stream.indirect.scatter.add.bf16 @!p0 [tilespmem:s13], [sflag:$0x9], $0x40, s11, s12, $0xb8;
	[tilespmem:$0x15220] =	vst v63  }
0xae: {  	s11 =	simm.s32 @!p0 $0x7  }
0xaf: {  	_ =	swait.ge @!p0 [sflag:s11], $0x1400  }
0xb0: {  	[sflag:s11] =	ssyncset.done @!p0 $0x0  }
0xb1: {  	s10 =	sadd.s32 @!p0 $0x370, s10;
	[sflag:s11] =	ssyncadd.s32 @!p0 $0xFFFFEC00;
	s11 =	simm.s32 @!p0 $0x6220  }
0xb2: {  	[tilespmem:s11], [sflag:$0x2] =	stream.indirect.gather @!p0 [hbm4b:s4+s12], $0x40, s10, s12, $0xb8;
	[tilespmem:$0x15220] =	vst v63  }
0xb3: {  	_ =	swait.ge [sflag:s30], $0x1400  }
0xb4: {  	[sflag:s30] =	ssyncset.done $0x0  }
.Ltmp4:
0xb5: {  	s13 =	sadd.s32 $0x29E0, s9;
	[sflag:s30] =	ssyncadd.s32 $0xFFFFEC00;
	(pc) =	sbr.rel @p0 .LBB2_8-.Ltmp4, $4  }
0xb6: {  	[spmem:s2] =	stream.indirect.scatter.add.bf16 [tilespmem:s31], [sflag:$0xA], $0x40, s13, s20, $0xb8;
	[tilespmem:$0x15220] =	vst v63  }
0xb7: {  	_ =	swait.ge [sflag:s25], $0x1400  }
0xb8: {  	[sflag:s25] =	ssyncset.done $0x0  }
0xb9: {  	[sflag:s25] =	ssyncadd.s32 $0xFFFFEC00  }
.Ltmp5:
0xba: {  	(pc) =	sbr.rel .LBB2_6-.Ltmp5, $3  }
0xbb: {  	_ =	sdelay $0x1  }
0xbc: {  	s9 =	sadd.s32 $0x3C0, s9;
	s8 =	sadd.s32 $0x640, s8  }
0xbd: {  	[tilespmem:s23], [sflag:$0x3] =	stream.indirect.gather [hbm4b:s4+s20], $0x40, s9, s20, $0xb8;
	[tilespmem:$0x15220] =	vst v63  }
.LBB2_9:
0xbe: {  	_ =	sfence.sel $0x180000  }
0xbf: {  	[bflag:$0x0] =	sbarrier.arrive $0xFFFF  }
0xc0: {  	_ =	strace $0x9000004A  }
0xc1: {  	s0 =	stileid.u32;
	[bflag:$0x2] =	sbarrier.arrive $0xFFFF  }
0xc2: {  	p0 =	sne.s32 s0, $0x0;
	s0 =	rddreg [dreg:$0x3]  }
0xc3: {  	s0 =	sadd.s32 @!p0 $0x100000, s0  }
0xc4: {  	[sflag:s0] =	ssyncadd.tile.s32 @!p0 $0x1;
	_ =	shalt  }
.Lfunc_end2:
_tile_overlayer_lowered:
.L_overlay_start_2:
0xc5: {  	(tag) =	ssettag $0x2  }
0xc6: {  	s0 =	rddreg [dreg:$0x0];
	s2 =	stileid.u32  }
0xc7: {  	s1 =	rddreg [dreg:$0x1];
	p0 =	sne.s32 s2, $0x0  }
0xc8: {  	s3 =	rddreg [dreg:$0x2];
	[bflag:$0x3] =	sbarrier.arrive $0xFFFF;
	s2 =	simm.s32 @!p0 $0x1C0B  }
0xc9: {  	[timem:s3], [sflag:s2] =	dma.local @!p0 [hbm:s0], s1  }
0xca: {  	s0 =	simm.s32 @!p0 $0xB  }
0xcb: {  	_ =	swait.ge @!p0 [sflag:s0], s1  }
0xcc: {  	s1 =	ssub.s32 @!p0 $0x0, s1;
	[sflag:s0] =	ssyncset.done @!p0 $0x0  }
0xcd: {  	[sflag:s0] =	ssyncadd.s32 @!p0 s1  }
0xce: {  	[bflag:$0x3] =	sbarrier.arrive $0xFFFF  }
0xcf: {  	_ =	shalt  }

// kernel: kernel.7.cloned.1.call-start
scs
__scs_entry_jumppad:
0x0: {  	(pc) =	sbr.rel $0x88, $3  }
0x1: {  	(tag) =	ssettag $0x0;
	lr =	simm.s32 $0x1  }
0x2: {  	[smem:$0x3F9C] =	sst lr;
	_ =	strace $0xD0000000  }
0x3: {  	_ = 	snop  }
0x4: {  	_ = 	snop  }
0x5: {  	_ = 	snop  }
0x6: {  	_ = 	snop  }
0x7: {  	_ = 	snop  }
__scs_overlays_trampoline_lowered:
0x8: {  	[smem:$0x3FAB] =	sst s0  }
0x9: {  	[smem:$0x3FAC] =	sst s1  }
0xa: {  	[smem:$0x3FAD] =	sst s2  }
0xb: {  	[smem:$0x3FAE] =	sst s3  }
0xc: {  	[smem:$0x3FAF] =	sst s4  }
0xd: {  	[smem:$0x3FB0] =	sst s5  }
0xe: {  	[smem:$0x3FB1] =	sst s6  }
0xf: {  	[smem:$0x3FB2] =	sst s7  }
0x10: {  	[smem:$0x3FB3] =	sst s8  }
0x11: {  	[smem:$0x3FB4] =	sst s9;
	s0 =	simm.s32 @!p0 $0x0  }
0x12: {  	s1 =	sld [smem:$0x3F9A];
	s0 =	simm.s32 @p0 $0x1  }
0x13: {  	[smem:$0x3FB5] =	sst s0;
	s0 =	simm.s32 @!p1 $0x0  }
0x14: {  	s2 =	sld [smem:$0x3F99];
	s0 =	simm.s32 @p1 $0x1  }
0x15: {  	[smem:$0x3FB6] =	sst s0;
	s0 =	simm.s32 @!p2 $0x0  }
0x16: {  	s3 =	sld [smem:$0x3FDB];
	s0 =	simm.s32 @p2 $0x1  }
0x17: {  	s4 =	simm.s32 $0x1BF5;
	[smem:$0x3FB8] =	sst s0  }
0x18: {  	s0 =	sld [smem:$0x3F9B];
	_ =	swait.ge [sflag:s4], $0x0  }
0x19: {  	s7 =	sld [smem:$0x3F9C]  }
0x1a: {  	s8 =	sadd.s32 $0xFFFFE003, lr  }
0x1b: {  	s9 =	sadd.s32 $0xFFFFFEF7, lr;
	s5 =	simm.s32 $0xFFFFFFFF;
	p2 =	slt.u32 s8, $0xFFFFF086  }
0x1c: {  	p1 =	slt.u32 s9, $0xF7A;
	s5 =	simm.s32 @!p2 $0x0  }
0x1d: {  	s5 =	simm.s32 @p1 $0x1;
	p0 =	seq.s32 s7, s2  }
0x1e: {  	s7 =	smul.u32 @!p0 $0xF7A, s2;
	p2 =	seq.s32 @!p0 s5, $0x0  }
0x1f: {  	s9 =	smul.u32 $0xF7A, s1;
	s8 =	simm.s32 @!p0 $0x1BF5;
	p2 =	por !p2, p0  }
0x20: {  	[sflag:s8] =	ssyncset.s32 @!p0 $0xFFFFF086;
	s6 =	sadd.s32 @!p0 s3, s7;
	s7 =	simm.s32 @!p0 $0x108  }
0x21: {  	s3 =	sadd.s32 s3, s9;
	s6 =	sadd.s32 @!p0 $0x88, s6;
	s7 =	simm.s32 @p2 $0x1082  }
0x22: {  	[simem:s7], [sflag:s8] =	dma.local @!p0 [hbm:s6], $0xF7A  }
0x23: {  	s9 =	sor.u32 $0xD0000000, s2;
	s6 =	simm.s32 $0x108;
	_ =	swait.ge @!p0 [sflag:s8], $0x0  }
0x24: {  	s3 =	sadd.s32 $0x88, s3;
	s6 =	simm.s32 @!p1 $0x1082;
	[sflag:s4] =	ssyncset.s32 $0xFFFFF086  }
0x25: {  	[simem:s6], [sflag:s4] =	dma.local [hbm:s3], $0xF7A  }
0x26: {  	[smem:$0x3F9C] =	sst s1;
	(tag) =	ssettag s2;
	_ =	strace s9  }
0x27: {  	s1 =	sld [smem:$0x3FAC]  }
0x28: {  	s2 =	sld [smem:$0x3FAD]  }
0x29: {  	s4 =	sld [smem:$0x3FAF]  }
0x2a: {  	p0 =	seq.s32 s5, $0x0;
	s5 =	sld [smem:$0x3FB0]  }
0x2b: {  	s6 =	sld [smem:$0x3FB1]  }
0x2c: {  	s7 =	sld [smem:$0x3FB2]  }
0x2d: {  	s3 =	simm.s32 $0x108;
	s8 =	sld [smem:$0x3FB3]  }
0x2e: {  	s3 =	simm.s32 @!p0 $0x1082;
	s9 =	sld [smem:$0x3FB4]  }
0x2f: {  	lr =	sadd.s32 s0, s3;
	s0 =	sld [smem:$0x3FAB]  }
0x30: {  	s3 =	sld [smem:$0x3FAE]  }
0x31: {  	[smem:$0x3FB7] =	sst s10  }
0x32: {  	s10 =	sld [smem:$0x3FB5];
	_ =	sdelay $0x3  }
0x33: {  	p0 =	seq.s32 s10, $0x1;
	s10 =	sld [smem:$0x3FB7];
	_ =	sdelay $0x3  }
0x34: {  	[smem:$0x3FB7] =	sst s10  }
0x35: {  	s10 =	sld [smem:$0x3FB6];
	_ =	sdelay $0x3  }
0x36: {  	p1 =	seq.s32 s10, $0x1;
	s10 =	sld [smem:$0x3FB7];
	_ =	sdelay $0x3  }
0x37: {  	[smem:$0x3FB7] =	sst s10  }
0x38: {  	s10 =	sld [smem:$0x3FB8]  }
0x39: {  	_ = 	snop;
	(pc) =	sbr.ind lr, $3  }
0x3a: {  	_ = 	snop  }
0x3b: {  	_ = 	snop  }
0x3c: {  	p2 =	seq.s32 s10, $0x1;
	s10 =	sld [smem:$0x3FB7]  }
0x3d: {  	_ =	shalt  }
0x3e: {  	_ =	shalt  }
0x3f: {  	_ =	shalt  }
0x40: {  	_ =	shalt  }
0x41: {  	_ =	shalt  }
0x42: {  	_ =	shalt  }
0x43: {  	_ =	shalt  }
0x44: {  	_ =	shalt  }
0x45: {  	_ =	shalt  }
0x46: {  	_ =	shalt  }
0x47: {  	_ =	shalt  }
0x48: {  	_ =	shalt  }
0x49: {  	_ =	shalt  }
0x4a: {  	_ =	shalt  }
0x4b: {  	_ =	shalt  }
0x4c: {  	_ =	shalt  }
0x4d: {  	_ =	shalt  }
0x4e: {  	_ =	shalt  }
0x4f: {  	_ =	shalt  }
0x50: {  	_ =	shalt  }
0x51: {  	_ =	shalt  }
0x52: {  	_ =	shalt  }
0x53: {  	_ =	shalt  }
0x54: {  	_ =	shalt  }
0x55: {  	_ =	shalt  }
0x56: {  	_ =	shalt  }
0x57: {  	_ =	shalt  }
0x58: {  	_ =	shalt  }
0x59: {  	_ =	shalt  }
0x5a: {  	_ =	shalt  }
0x5b: {  	_ =	shalt  }
0x5c: {  	_ =	shalt  }
0x5d: {  	_ =	shalt  }
0x5e: {  	_ =	shalt  }
0x5f: {  	_ =	shalt  }
0x60: {  	_ =	shalt  }
0x61: {  	_ =	shalt  }
0x62: {  	_ =	shalt  }
0x63: {  	_ =	shalt  }
0x64: {  	_ =	shalt  }
0x65: {  	_ =	shalt  }
0x66: {  	_ =	shalt  }
0x67: {  	_ =	shalt  }
0x68: {  	_ =	shalt  }
0x69: {  	_ =	shalt  }
0x6a: {  	_ =	shalt  }
0x6b: {  	_ =	shalt  }
0x6c: {  	_ =	shalt  }
0x6d: {  	_ =	shalt  }
0x6e: {  	_ =	shalt  }
0x6f: {  	_ =	shalt  }
0x70: {  	_ =	shalt  }
0x71: {  	_ =	shalt  }
0x72: {  	_ =	shalt  }
0x73: {  	_ =	shalt  }
0x74: {  	_ =	shalt  }
0x75: {  	_ =	shalt  }
0x76: {  	_ =	shalt  }
0x77: {  	_ =	shalt  }
0x78: {  	_ =	shalt  }
0x79: {  	_ =	shalt  }
0x7a: {  	_ =	shalt  }
0x7b: {  	_ =	shalt  }
0x7c: {  	_ =	shalt  }
0x7d: {  	_ =	shalt  }
0x7e: {  	_ =	shalt  }
0x7f: {  	_ =	shalt  }
0x80: {  	_ =	shalt  }
0x81: {  	_ =	shalt  }
0x82: {  	_ =	shalt  }
0x83: {  	_ =	shalt  }
0x84: {  	_ =	shalt  }
0x85: {  	_ =	shalt  }
0x86: {  	_ =	shalt  }
0x87: {  	_ =	shalt  }
.Lfunc_end0:
.L_simem_size_0:
called_computation_lowered:
.L_overlay_start_0:
0x88: {  	s2 =	sld [smem:$0x3FD9]  }
0x89: {  	s3 =	sld [smem:$0x3FFE];
	_ =	sdelay $0x1  }
0x8a: {  	s1 =	srdreg.scid  }
0x8b: {  	s0 =	sand.u32 $0x1, s1  }
0x8c: {  	s17 =	sshll.u32 s0, $0xA;
	s2 =	sadd.s32 s3, s2  }
0x8d: {  	s2 =	sadd.s32 s2, s17  }
0x8e: {  	[smem:$0x3FC3] =	sst s2  }
0x8f: {  	_ = 	snop  }
0x90: {  	s2 =	sld [smem:$0x3FD0];
	(tm) =	ssettm $0x1  }
0x91: {  	s18 =	sld [smem:$0x3FFB];
	_ =	sdelay $0x3  }
0x92: {  	_ =	strace s18  }
0x93: {  	s3 =	sld [smem:$0x3FFC];
	_ =	sdelay $0x3  }
0x94: {  	_ =	strace s3  }
0x95: {  	s3 =	sld [smem:$0x3FFD];
	_ =	sdelay $0x3  }
0x96: {  	_ =	strace s3  }
0x97: {  	_ =	strace $0x8FFFFFFF  }
0x98: {  	s19 =	sld [smem:$0x3FDB];
	_ =	sdelay $0x1  }
0x99: {  	s4 =	simm.s32 $_scs_section_size  }
0x9a: {  	s5 =	simm.s32 $_size__tile_overlayer_lowered;
	s6 =	simm.s32 $_tile_overlayer_lowered  }
0x9b: {  	s22 =	simm.s32 $0x1BFF;
	s21 =	sshll.u32 s6, $0x1;
	s3 =	sadd.s32 s4, s19  }
0x9c: {  	s7 =	simm.s32 $0x0;
	s20 =	sshll.u32 s5, $0x1;
	s5 =	sadd.s32 s21, s3  }
0x9d: {  	[timem:s7], [sflag:s22] =	dma.local [hbm:s5], s20  }
0x9e: {  	_ =	swait.ge [sflag:s22], s20  }
0x9f: {  	s4 =	ssub.s32 $0x0, s20;
	[sflag:s22] =	ssyncset.done $0x0  }
0xa0: {  	[sflag:s22] =	ssyncadd.s32 s4;
	_ =	sdelay $0x1  }
0xa1: {  	s23 =	simm.s32 $0x1B8B  }
0xa2: {  	_ =	swait.ge [sflag:s23], $0x1  }
0xa3: {  	[sflag:s23] =	ssyncset.done $0x0  }
0xa4: {  	s25 =	simm.s32 $0x1B8E;
	s24 =	sld [smem:$0x3FFE];
	[sflag:s23] =	ssyncadd.s32 $0xFFFFFFFF  }
0xa5: {  	s26 =	simm.s32 $execute0_lowered;
	[smem:$0x3FD2] =	sst s25  }
0xa6: {  	s5 =	sshll.u32 s26, $0x1;
	_ =	strace $0x80000046;
	[dreg:$0x1] =	wrdreg $0xFFFFFFFF  }
0xa7: {  	s28 =	simm.s32 $_size_execute0_lowered;
	s3 =	sadd.s32 s3, s5;
	[dreg:$0x0] =	wrdreg $0x0  }
0xa8: {  	s5 =	sshll.u32 s28, $0x1;
	[dreg:$0x2] =	wrdreg s3  }
0xa9: {  	[dreg:$0x3] =	wrdreg s5  }
0xaa: {  	[dreg:$0x4] =	wrdreg $0xC0  }
0xab: {  	_ =	task [dreg:s7], $0x5FFFF  }
0xac: {  	[dreg:$0x1] =	wrdreg $0xFFFFFFFF  }
0xad: {  	[dreg:$0x0] =	wrdreg $0x60  }
0xae: {  	[dreg:$0x2] =	wrdreg s24  }
0xaf: {  	[dreg:$0x3] =	wrdreg s2  }
0xb0: {  	[dreg:$0x4] =	wrdreg $0x18880  }
0xb1: {  	[dreg:$0x5] =	wrdreg $0x9  }
0xb2: {  	_ =	task.clear_ibuf [dreg:s7], $0x6FFFF;
	_ =	strace $0x90000046  }
0xb3: {  	s29 =	simm.s32 $0x9;
	_ =	strace $0x80000048  }
0xb4: {  	_ =	swait.ge [sflag:s29], $0x1  }
0xb5: {  	[sflag:s29] =	ssyncadd.s32 $0xFFFFFFFF  }
0xb6: {  	_ =	strace $0x90000048  }
0xb7: {  	_ =	sfence  }
0xb8: {  	s30 =	sld [smem:$0x0];
	_ =	sdelay $0x2  }
0xb9: {  	s31 =	sshll.u32 s1, $0xD;
	s1 =	sshrl.u32 s1, $0x2  }
0xba: {  	s3 =	sand.u32 $0x4000, s31;
	s1 =	sadd.s32 s1, s30  }
0xbb: {  	s0 =	sor.u32 s3, s0;
	s1 =	sshll.u32 s1, $0x11  }
0xbc: {  	s0 =	sor.u32 s1, s0  }
0xbd: {  	s0 =	sadd.s32 $0x8F2B, s0  }
0xbe: {  	[sflag:s0] =	ssyncadd.remote.s32 $0x1  }
0xbf: {  	_ =	sfence.sel $0xFFFF  }
0xc0: {  	[dreg:$0x0] =	wrdreg $0xFFFFFFFF;
	(pc) =	sbr.abs _section_cstart, $3  }
0xc1: {  	[dreg:$0x1] =	wrdreg $0xFFFFFFFF  }
0xc2: {  	_ =	task.clear_ibuf [dreg:s7], $0x2FFFF;
	_ =	strace $0x9FFFFFFF  }
0xc3: {  	(tm) =	ssettm $0x7FFFFFFF  }
tec
execute0_lowered:
.L_overlay_start_1:
0x0: {  	(tag) =	ssettag $0x1  }
0x1: {  	s0 =	rddreg [dreg:$0x0]  }
0x2: {  	s2 =	rddreg [dreg:$0x1]  }
0x3: {  	s1 =	rddreg [dreg:$0x2]  }
0x4: {  	s3 =	srdreg.scid;
	s8 =	stileid.u32  }
0x5: {  	s23 =	simm.s32 $0x280;
	s24 =	simm.s32 $0x5;
	s31 =	simm.s32 $0x1  }
0x6: {  	s28 =	simm.s32 $0x4;
	s30 =	simm.s32 $0x0;
	s6 =	smul.u32 $0xA000, s8  }
0x7: {  	s5 =	sand.u32 $0x1, s3;
	s3 =	simm.s32 $0x0;
	s19 =	smul.u32 $0x2800, s8  }
0x8: {  	s4 =	sshll.u32 s5, $0x4;
	[smem:$0x7FF] =	sst s3;
	s7 =	ssub.s32 $0x2, s5  }
0x9: {  	s5 =	smul.u32 $0x28000, s5;
	s4 =	sor.u32 s8, s4;
	_ =	strace $0x80000047  }
0xa: {  	s6 =	sshrl.u32 s6, $0x2;
	s25 =	sshrl.u32 s7, $0x1;
	s4 =	smul.u32 $0x271, s4  }
0xb: {  	s20 =	sadd.s32 s6, s1;
	s22 =	ssub.s32 s7, s25;
	s5 =	sadd.s32 s19, s5  }
0xc: {  	s25 =	simm.s32 $0x500;
	s6 =	sadd.s32 $0x280, s20;
	s26 =	sadd.s32 $0x500, s20  }
0xd: {  	s7 =	sadd.s32 $0x780, s20;
	s8 =	sadd.s32 $0xA00, s20;
	s9 =	sadd.s32 $0xC80, s20  }
0xe: {  	s10 =	sadd.s32 $0xF00, s20;
	s11 =	sadd.s32 $0x1180, s20;
	s12 =	sadd.s32 $0x1400, s20  }
0xf: {  	s13 =	sadd.s32 $0x1680, s20;
	s14 =	sadd.s32 $0x1900, s20;
	s15 =	sadd.s32 $0x1B80, s20  }
0x10: {  	s16 =	sadd.s32 $0x1E00, s20;
	s17 =	sadd.s32 $0x2080, s20;
	s18 =	sadd.s32 $0x2300, s20  }
0x11: {  	s29 =	sshrl.u32 s5, $0x3;
	s22 =	smax.u32 s22, $0x1;
	[dreg:$0x4] =	wrdreg s6  }
0x12: {  	s0 =	sadd.s32 s4, s0;
	s4 =	sadd.s32 s19, s1;
	[dreg:$0x5] =	wrdreg s26  }
0x13: {  	s19 =	sadd.s32 $0x2580, s20;
	s21 =	sadd.s32 s2, s29;
	s26 =	simm.s32 $0x28  }
0x14: {  	v0 =	vimm.f32 $0.0e+00;
	v1 =	vimm.f32 $1.000000000e+00;
	s2 =	simm.s32 $0x3;
	s20 =	sadd.s32 $0x6400, s0;
	s0 =	simm.s32 $0x2  }
.LBB2_1:
0x15: {  	s29 =	simm.s32 $0x40;
	s5 =	simm.s32 $0x0  }
.LBB2_2:
0x16: {  	p0 =	sne.s32 s29, $0x9C0;
	[tilespmem:s5+$0x280] =	vst v0;
	s6 =	smov.u32 s29;
	s29 =	sadd.s32 $0x40, s29  }
.Ltmp0:
0x17: {  	[tilespmem:s5+$0x0] =	vst v1;
	(pc) =	sbr.rel @p0 .LBB2_2-.Ltmp0, $2  }
0x18: {  	_ =	sdelay $0x2  }
0x19: {  	s5 =	sshra.s32 s6, $0x2  }
0x1a: {  	[tilespmem:s5+$0x280] =	vst v0  }
0x1b: {  	[tilespmem:s5+$0x0] =	vst v1  }
0x1c: {  	[spmem:s4] =	stream.linear.scatter [tilespmem:s23], [sflag:$0x5], $0x280, $0x38;
	[tilespmem:$0x4088] =	vst v63  }
0x1d: {  	_ =	swait.ge [sflag:s24], $0x280  }
0x1e: {  	[sflag:s24] =	ssyncset.done $0x0  }
0x1f: {  	s6 =	rddreg [dreg:$0x4];
	[sflag:s24] =	ssyncadd.s32 $0xFFFFFD80  }
0x20: {  	[spmem:s6] =	stream.linear.scatter [tilespmem:s23], [sflag:$0x5], $0x280, $0x38;
	[tilespmem:$0x4088] =	vst v63  }
0x21: {  	_ =	swait.ge [sflag:s24], $0x280  }
0x22: {  	[sflag:s24] =	ssyncset.done $0x0  }
0x23: {  	s6 =	rddreg [dreg:$0x5];
	[sflag:s24] =	ssyncadd.s32 $0xFFFFFD80  }
0x24: {  	[spmem:s6] =	stream.linear.scatter [tilespmem:s23], [sflag:$0x5], $0x280, $0x38;
	[tilespmem:$0x4088] =	vst v63  }
0x25: {  	_ =	swait.ge [sflag:s24], $0x280  }
0x26: {  	[sflag:s24] =	ssyncset.done $0x0  }
0x27: {  	[sflag:s24] =	ssyncadd.s32 $0xFFFFFD80  }
0x28: {  	[spmem:s7] =	stream.linear.scatter [tilespmem:s23], [sflag:$0x5], $0x280, $0x38;
	[tilespmem:$0x4088] =	vst v63  }
0x29: {  	_ =	swait.ge [sflag:s24], $0x280  }
0x2a: {  	[sflag:s24] =	ssyncset.done $0x0  }
0x2b: {  	[sflag:s24] =	ssyncadd.s32 $0xFFFFFD80  }
0x2c: {  	[spmem:s8] =	stream.linear.scatter [tilespmem:s23], [sflag:$0x5], $0x280, $0x38;
	[tilespmem:$0x4088] =	vst v63  }
0x2d: {  	_ =	swait.ge [sflag:s24], $0x280  }
0x2e: {  	[sflag:s24] =	ssyncset.done $0x0  }
0x2f: {  	[sflag:s24] =	ssyncadd.s32 $0xFFFFFD80  }
0x30: {  	[spmem:s9] =	stream.linear.scatter [tilespmem:s23], [sflag:$0x5], $0x280, $0x38;
	[tilespmem:$0x4088] =	vst v63  }
0x31: {  	_ =	swait.ge [sflag:s24], $0x280  }
0x32: {  	[sflag:s24] =	ssyncset.done $0x0  }
0x33: {  	[sflag:s24] =	ssyncadd.s32 $0xFFFFFD80  }
0x34: {  	[spmem:s10] =	stream.linear.scatter [tilespmem:s23], [sflag:$0x5], $0x280, $0x38;
	[tilespmem:$0x4088] =	vst v63  }
0x35: {  	_ =	swait.ge [sflag:s24], $0x280  }
0x36: {  	[sflag:s24] =	ssyncset.done $0x0  }
0x37: {  	[sflag:s24] =	ssyncadd.s32 $0xFFFFFD80  }
0x38: {  	[spmem:s11] =	stream.linear.scatter [tilespmem:s23], [sflag:$0x5], $0x280, $0x38;
	[tilespmem:$0x4088] =	vst v63  }
0x39: {  	_ =	swait.ge [sflag:s24], $0x280  }
0x3a: {  	[sflag:s24] =	ssyncset.done $0x0  }
0x3b: {  	[sflag:s24] =	ssyncadd.s32 $0xFFFFFD80  }
0x3c: {  	[spmem:s12] =	stream.linear.scatter [tilespmem:s23], [sflag:$0x5], $0x280, $0x38;
	[tilespmem:$0x4088] =	vst v63  }
0x3d: {  	_ =	swait.ge [sflag:s24], $0x280  }
0x3e: {  	[sflag:s24] =	ssyncset.done $0x0  }
0x3f: {  	[sflag:s24] =	ssyncadd.s32 $0xFFFFFD80  }
0x40: {  	[spmem:s13] =	stream.linear.scatter [tilespmem:s23], [sflag:$0x5], $0x280, $0x38;
	[tilespmem:$0x4088] =	vst v63  }
0x41: {  	_ =	swait.ge [sflag:s24], $0x280  }
0x42: {  	[sflag:s24] =	ssyncset.done $0x0  }
0x43: {  	[sflag:s24] =	ssyncadd.s32 $0xFFFFFD80  }
0x44: {  	[spmem:s14] =	stream.linear.scatter [tilespmem:s23], [sflag:$0x5], $0x280, $0x38;
	[tilespmem:$0x4088] =	vst v63  }
0x45: {  	_ =	swait.ge [sflag:s24], $0x280  }
0x46: {  	[sflag:s24] =	ssyncset.done $0x0  }
0x47: {  	[sflag:s24] =	ssyncadd.s32 $0xFFFFFD80  }
0x48: {  	[spmem:s15] =	stream.linear.scatter [tilespmem:s23], [sflag:$0x5], $0x280, $0x38;
	[tilespmem:$0x4088] =	vst v63  }
0x49: {  	_ =	swait.ge [sflag:s24], $0x280  }
0x4a: {  	[sflag:s24] =	ssyncset.done $0x0  }
0x4b: {  	[sflag:s24] =	ssyncadd.s32 $0xFFFFFD80  }
0x4c: {  	[spmem:s16] =	stream.linear.scatter [tilespmem:s23], [sflag:$0x5], $0x280, $0x38;
	[tilespmem:$0x4088] =	vst v63  }
0x4d: {  	_ =	swait.ge [sflag:s24], $0x280  }
0x4e: {  	[sflag:s24] =	ssyncset.done $0x0  }
0x4f: {  	[sflag:s24] =	ssyncadd.s32 $0xFFFFFD80  }
0x50: {  	[spmem:s17] =	stream.linear.scatter [tilespmem:s23], [sflag:$0x5], $0x280, $0x38;
	[tilespmem:$0x4088] =	vst v63  }
0x51: {  	_ =	swait.ge [sflag:s24], $0x280  }
0x52: {  	[sflag:s24] =	ssyncset.done $0x0  }
0x53: {  	[sflag:s24] =	ssyncadd.s32 $0xFFFFFD80  }
0x54: {  	[spmem:s18] =	stream.linear.scatter [tilespmem:s23], [sflag:$0x5], $0x280, $0x38;
	[tilespmem:$0x4088] =	vst v63  }
0x55: {  	_ =	swait.ge [sflag:s24], $0x280  }
0x56: {  	[sflag:s24] =	ssyncset.done $0x0  }
0x57: {  	[sflag:s24] =	ssyncadd.s32 $0xFFFFFD80  }
0x58: {  	[spmem:s19] =	stream.linear.scatter [tilespmem:s23], [sflag:$0x5], $0x280, $0x38;
	[tilespmem:$0x4088] =	vst v63  }
0x59: {  	_ =	swait.ge [sflag:s24], $0x280  }
0x5a: {  	[sflag:s24] =	ssyncset.done $0x0  }
0x5b: {  	[sflag:s24] =	ssyncadd.s32 $0xFFFFFD80  }
0x5c: {  	[tilespmem:s25], [sflag:$0x5] =	stream.linear.gather [hbm4b:s20+s3], $0x1388, $0x38;
	[tilespmem:$0x4088] =	vst v63  }
0x5d: {  	_ =	swait.ge [sflag:s24], $0x1388  }
0x5e: {  	[sflag:s24] =	ssyncset.done $0x0  }
0x5f: {  	[sflag:s24] =	ssyncadd.s32 $0xFFFFEC78  }
0x60: {  	[bflag:$0x0] =	sbarrier.arrive $0xFFFF  }
0x61: {  	[spmem:s1] =	stream.indirect.scatter.add.f32 [tilespmem:s3], [sflag:$0x1], $0x10, s25, s26, $0xb8;
	[tilespmem:$0x4088] =	vst v63  }
0x62: {  	s6 =	simm.s32 $0x528  }
0x63: {  	[spmem:s1] =	stream.indirect.scatter.add.f32 [tilespmem:s3], [sflag:$0x2], $0x10, s6, s26, $0xb8;
	[tilespmem:$0x4088] =	vst v63  }
0x64: {  	s6 =	simm.s32 $0x550  }
0x65: {  	[spmem:s1] =	stream.indirect.scatter.add.f32 [tilespmem:s3], [sflag:$0x3], $0x10, s6, s26, $0xb8;
	[tilespmem:$0x4088] =	vst v63  }
0x66: {  	s6 =	simm.s32 $0x578  }
0x67: {  	[spmem:s1] =	stream.indirect.scatter.add.f32 [tilespmem:s3], [sflag:$0x4], $0x10, s6, s26, $0xb8;
	[tilespmem:$0x4088] =	vst v63  }
0x68: {  	_ =	swait.ge [sflag:s31], $0x280  }
0x69: {  	[sflag:s31] =	ssyncset.done $0x0  }
0x6a: {  	s6 =	simm.s32 $0x5A0;
	[sflag:s31] =	ssyncadd.s32 $0xFFFFFD80  }
0x6b: {  	[spmem:s1] =	stream.indirect.scatter.add.f32 [tilespmem:s3], [sflag:$0x1], $0x10, s6, s26, $0xb8;
	[tilespmem:$0x4088] =	vst v63  }
0x6c: {  	_ =	swait.ge [sflag:s0], $0x280  }
0x6d: {  	[sflag:s0] =	ssyncset.done $0x0  }
0x6e: {  	s6 =	simm.s32 $0x5C8;
	[sflag:s0] =	ssyncadd.s32 $0xFFFFFD80  }
0x6f: {  	[spmem:s1] =	stream.indirect.scatter.add.f32 [tilespmem:s3], [sflag:$0x2], $0x10, s6, s26, $0xb8;
	[tilespmem:$0x4088] =	vst v63  }
0x70: {  	_ =	swait.ge [sflag:s2], $0x280  }
0x71: {  	[sflag:s2] =	ssyncset.done $0x0  }
0x72: {  	s6 =	simm.s32 $0x5F0;
	[sflag:s2] =	ssyncadd.s32 $0xFFFFFD80  }
0x73: {  	[spmem:s1] =	stream.indirect.scatter.add.f32 [tilespmem:s3], [sflag:$0x3], $0x10, s6, s26, $0xb8;
	[tilespmem:$0x4088] =	vst v63  }
0x74: {  	_ =	swait.ge [sflag:s28], $0x280  }
0x75: {  	[sflag:s28] =	ssyncset.done $0x0  }
0x76: {  	s29 =	simm.s32 $0xFFFFB780;
	s5 =	simm.s32 $0x618;
	[sflag:s28] =	ssyncadd.s32 $0xFFFFFD80  }
.LBB2_4:
0x77: {  	[spmem:s1] =	stream.indirect.scatter.add.f32 [tilespmem:s3], [sflag:$0x4], $0x10, s5, s26, $0xb8;
	[tilespmem:$0x4088] =	vst v63  }
0x78: {  	s5 =	smov.u32 s29  }
0x79: {  	p0 =	sne.s32 s29, $0xFFFFFD80;
	s29 =	sadd.s32 $0x280, s29;
	_ =	swait.ge [sflag:s31], $0x280  }
0x7a: {  	s5 =	sshra.s32 s5, $0x2;
	[sflag:s31] =	ssyncset.done $0x0  }
0x7b: {  	s6 =	sadd.s32 $0x1860, s5;
	[sflag:s31] =	ssyncadd.s32 $0xFFFFFD80  }
0x7c: {  	[spmem:s1] =	stream.indirect.scatter.add.f32 [tilespmem:s3], [sflag:$0x1], $0x10, s6, s26, $0xb8;
	[tilespmem:$0x4088] =	vst v63  }
0x7d: {  	_ =	swait.ge [sflag:s0], $0x280  }
0x7e: {  	[sflag:s0] =	ssyncset.done $0x0  }
0x7f: {  	s6 =	sadd.s32 $0x1888, s5;
	[sflag:s0] =	ssyncadd.s32 $0xFFFFFD80  }
0x80: {  	[spmem:s1] =	stream.indirect.scatter.add.f32 [tilespmem:s3], [sflag:$0x2], $0x10, s6, s26, $0xb8;
	[tilespmem:$0x4088] =	vst v63  }
0x81: {  	_ =	swait.ge [sflag:s2], $0x280  }
0x82: {  	[sflag:s2] =	ssyncset.done $0x0  }
.Ltmp1:
0x83: {  	s6 =	sadd.s32 $0x18B0, s5;
	[sflag:s2] =	ssyncadd.s32 $0xFFFFFD80;
	(pc) =	sbr.rel @p0 .LBB2_4-.Ltmp1, $4  }
0x84: {  	[spmem:s1] =	stream.indirect.scatter.add.f32 [tilespmem:s3], [sflag:$0x3], $0x10, s6, s26, $0xb8;
	[tilespmem:$0x4088] =	vst v63  }
0x85: {  	_ =	swait.ge [sflag:s28], $0x280  }
0x86: {  	[sflag:s28] =	ssyncset.done $0x0  }
0x87: {  	s5 =	sadd.s32 $0x18D8, s5;
	[sflag:s28] =	ssyncadd.s32 $0xFFFFFD80  }
0x88: {  	[spmem:s1] =	stream.indirect.scatter.add.f32 [tilespmem:s3], [sflag:$0x4], $0x10, s5, s26, $0xb8;
	[tilespmem:$0x4088] =	vst v63  }
0x89: {  	_ =	swait.ge [sflag:s31], $0x280  }
0x8a: {  	[sflag:s31] =	ssyncset.done $0x0  }
0x8b: {  	s6 =	simm.s32 $0x1860;
	[sflag:s31] =	ssyncadd.s32 $0xFFFFFD80  }
0x8c: {  	[spmem:s1] =	stream.indirect.scatter.add.f32 [tilespmem:s3], [sflag:$0x1], $0x10, s6, s26, $0xb8;
	[tilespmem:$0x4088] =	vst v63  }
0x8d: {  	_ =	swait.ge [sflag:s0], $0x280  }
0x8e: {  	[sflag:s0] =	ssyncset.done $0x0  }
0x8f: {  	[sflag:s0] =	ssyncadd.s32 $0xFFFFFD80  }
0x90: {  	_ =	swait.ge [sflag:s2], $0x280  }
0x91: {  	[sflag:s2] =	ssyncset.done $0x0  }
0x92: {  	[sflag:s2] =	ssyncadd.s32 $0xFFFFFD80  }
0x93: {  	_ =	swait.ge [sflag:s28], $0x280  }
0x94: {  	[sflag:s28] =	ssyncset.done $0x0  }
0x95: {  	[sflag:s28] =	ssyncadd.s32 $0xFFFFFD80  }
0x96: {  	s29 =	stileid.u32;
	_ =	swait.ge [sflag:s31], $0x280  }
0x97: {  	s30 =	sadd.s32 $0x1, s30;
	s5 =	sshll.u32 s29, $0x6;
	[sflag:s31] =	ssyncset.done $0x0  }
0x98: {  	p0 =	sne.s32 s30, s22;
	s5 =	sor.u32 $0x1C05, s5;
	[sflag:s31] =	ssyncadd.s32 $0xFFFFFD80  }
.Ltmp2:
0x99: {  	s6 =	sshrl.u32 s4, $0x3;
	[bflag:$0x0] =	sbarrier.arrive $0xFFFF;
	(pc) =	sbr.rel @p0 .LBB2_1-.Ltmp2, $4  }
0x9a: {  	[hbm:s21], [sflag:s5] =	dma.local [spmem:s6], $0x500  }
0x9b: {  	_ =	swait.ge [sflag:s24], $0x500  }
0x9c: {  	[sflag:s24] =	ssyncset.done $0x0  }
0x9d: {  	[sflag:s24] =	ssyncadd.s32 $0xFFFFFB00  }
0x9e: {  	_ =	sfence.sel $0x180000  }
0x9f: {  	[bflag:$0x0] =	sbarrier.arrive $0xFFFF  }
0xa0: {  	_ =	strace $0x90000047  }
0xa1: {  	s0 =	stileid.u32;
	[bflag:$0x2] =	sbarrier.arrive $0xFFFF  }
0xa2: {  	p0 =	sne.s32 s0, $0x0;
	s0 =	rddreg [dreg:$0x3]  }
0xa3: {  	s0 =	sadd.s32 @!p0 $0x100000, s0  }
0xa4: {  	[sflag:s0] =	ssyncadd.tile.s32 @!p0 $0x1;
	_ =	shalt  }
.Lfunc_end2:
_tile_overlayer_lowered:
.L_overlay_start_2:
0xa5: {  	(tag) =	ssettag $0x2  }
0xa6: {  	s0 =	rddreg [dreg:$0x0];
	s2 =	stileid.u32  }
0xa7: {  	s1 =	rddreg [dreg:$0x1];
	p0 =	sne.s32 s2, $0x0  }
0xa8: {  	s3 =	rddreg [dreg:$0x2];
	[bflag:$0x3] =	sbarrier.arrive $0xFFFF;
	s2 =	simm.s32 @!p0 $0x1C05  }
0xa9: {  	[timem:s3], [sflag:s2] =	dma.local @!p0 [hbm:s0], s1  }
0xaa: {  	s0 =	simm.s32 @!p0 $0x5  }
0xab: {  	_ =	swait.ge @!p0 [sflag:s0], s1  }
0xac: {  	s1 =	ssub.s32 @!p0 $0x0, s1;
	[sflag:s0] =	ssyncset.done @!p0 $0x0  }
0xad: {  	[sflag:s0] =	ssyncadd.s32 @!p0 s1  }
0xae: {  	[bflag:$0x3] =	sbarrier.arrive $0xFFFF  }
0xaf: {  	_ =	shalt  }

</sc_bundles>
